<compile_context>
chip_gen: v7x
topology: tpu7x:2x2x1
jax: 0.10.2.dev20260603
libtpu: 0.0.44.dev20260713+nightly
codegen_flags: <defaults>
</compile_context>

<pallas_src>
import jax
import jax.numpy as jnp
from jax import lax
from jax.experimental import pallas as pl
from jax.experimental.pallas import tpu as pltpu
from jax.experimental.pallas import tpu_sc as plsc

N_NODES = 10000
N_EDGES = 320000
FDIM = 128

NC = 2
NS = 16
NW = NC * NS
K = 128
CHUNKS = 80
EPW = CHUNKS * K
NPW = EPW - 10000
PAIRS = CHUNKS // 2 - 1
NPAD = 10240
SLAB = NPAD // NS
EROWS = NW * CHUNKS

R = 512
GRID = NPAD // R


def _sc_agg_body(with_deg, table, ei, z2, z1, agg_out, deg_out,
                 s_idx, d_idx, rows0, rows1, ones, acc, deg_acc,
                 sem0, sem1, sem2, sem3):
    c = lax.axis_index("c")
    s = lax.axis_index("s")
    slab = s * SLAB
    w = c * NS + s
    pltpu.sync_copy(z2, acc.at[pl.ds(slab, SLAB)])
    if with_deg:
        pltpu.sync_copy(z1, deg_acc.at[pl.ds(slab, SLAB)])
        for i in range(K // 16):
            ones[pl.ds(i * 16, 16)] = jnp.full((16,), 1.0, jnp.float32)
    pltpu.sync_copy(ei.at[pl.ds(w * CHUNKS, CHUNKS)], s_idx)
    pltpu.sync_copy(ei.at[pl.ds(EROWS + w * CHUNKS, CHUNKS)], d_idx)
    plsc.subcore_barrier()

    def gather_start(j, rows, sem):
        pltpu.async_copy(table.at[s_idx.at[j]], rows, sem)

    def gather_wait(j, rows, sem):
        pltpu.make_async_copy(table.at[s_idx.at[j]], rows, sem).wait()

    def scatter_start(j, rows, sem):
        pltpu.async_copy(rows, acc.at[d_idx.at[j]], sem, add=True)
        if with_deg:
            pltpu.async_copy(ones, deg_acc.at[d_idx.at[j]], sem, add=True)

    def scatter_wait(j, rows, sem):
        pltpu.make_async_copy(rows, acc.at[d_idx.at[j]], sem).wait()
        if with_deg:
            pltpu.make_async_copy(ones, deg_acc.at[d_idx.at[j]], sem).wait()

    gather_start(0, rows0, sem0)
    gather_start(1, rows1, sem1)

    def pair(t, carry):
        j = 2 * t
        gather_wait(j, rows0, sem0)
        scatter_start(j, rows0, sem2)
        gather_wait(j + 1, rows1, sem1)
        scatter_start(j + 1, rows1, sem3)
        scatter_wait(j, rows0, sem2)
        gather_start(j + 2, rows0, sem0)
        scatter_wait(j + 1, rows1, sem3)
        gather_start(j + 3, rows1, sem1)
        return carry

    lax.fori_loop(0, PAIRS, pair, 0)
    gather_wait(CHUNKS - 3, rows0, sem0)
    scatter_start(CHUNKS - 3, rows0, sem2)
    gather_wait(CHUNKS - 2, rows1, sem1)
    scatter_start(CHUNKS - 2, rows1, sem3)
    scatter_wait(CHUNKS - 3, rows0, sem2)
    gather_start(CHUNKS - 1, rows0, sem0)
    gather_wait(CHUNKS - 1, rows0, sem0)
    scatter_start(CHUNKS - 1, rows0, sem2)
    scatter_wait(CHUNKS - 2, rows1, sem3)
    scatter_wait(CHUNKS - 1, rows0, sem2)

    plsc.subcore_barrier()
    out_off = c * NPAD + slab
    pltpu.sync_copy(acc.at[pl.ds(slab, SLAB)], agg_out.at[pl.ds(out_off, SLAB)])
    if with_deg:
        pltpu.sync_copy(deg_acc.at[pl.ds(slab, SLAB)],
                        deg_out.at[pl.ds(out_off, SLAB)])


def _sc_aggregate(table, ei2d, z2, z1, with_deg):
    mesh = plsc.VectorSubcoreMesh(core_axis_name="c", subcore_axis_name="s")
    out_type = [jax.ShapeDtypeStruct((NC * NPAD, FDIM), jnp.bfloat16)]
    scratch = [
        pltpu.VMEM((CHUNKS, K), jnp.int32),
        pltpu.VMEM((CHUNKS, K), jnp.int32),
        pltpu.VMEM((K, FDIM), jnp.bfloat16),
        pltpu.VMEM((K, FDIM), jnp.bfloat16),
        pltpu.VMEM((K,), jnp.float32),
        pltpu.VMEM_SHARED((NPAD, FDIM), jnp.bfloat16),
        pltpu.VMEM_SHARED((NPAD,), jnp.float32),
        pltpu.SemaphoreType.DMA,
        pltpu.SemaphoreType.DMA,
        pltpu.SemaphoreType.DMA,
        pltpu.SemaphoreType.DMA,
    ]
    if with_deg:
        out_type.append(jax.ShapeDtypeStruct((NC * NPAD,), jnp.float32))

        def body(table, ei, z2, z1, agg_out, deg_out, *rest):
            _sc_agg_body(True, table, ei, z2, z1, agg_out, deg_out, *rest)
    else:
        def body(table, ei, z2, z1, agg_out, *rest):
            _sc_agg_body(False, table, ei, z2, z1, agg_out, None, *rest)

    f = pl.kernel(body, out_type=tuple(out_type), mesh=mesh,
                  scratch_types=scratch,
                  compiler_params=pltpu.CompilerParams(
                      use_tc_tiling_on_sc=False))
    return f(table, ei2d, z2, z1)


def _mm_relu_body(a0, a1, d0, d1, w, b, o):
    d = jnp.maximum(d0[...] + d1[...], 1.0)
    h = (a0[...].astype(jnp.float32) + a1[...].astype(jnp.float32)) / d
    y = jnp.dot(h, w[...], preferred_element_type=jnp.float32) + b[...]
    o[...] = jnp.maximum(y, 0.0).astype(jnp.bfloat16)


def _mm_fused_body(a0, a1, d0, d1, w2, b2, w3, b3, o):
    d = jnp.maximum(d0[...] + d1[...], 1.0)
    h = (a0[...].astype(jnp.float32) + a1[...].astype(jnp.float32)) / d
    h = jnp.maximum(jnp.dot(h, w2[...], preferred_element_type=jnp.float32) + b2[...], 0.0)
    o[...] = jnp.dot(h, w3[...], preferred_element_type=jnp.float32) + b3[...]


_A0 = pl.BlockSpec((R, FDIM), lambda i: (i, 0))
_A1 = pl.BlockSpec((R, FDIM), lambda i: (i + GRID, 0))
_D0 = pl.BlockSpec((R, 1), lambda i: (i, 0))
_D1 = pl.BlockSpec((R, 1), lambda i: (i + GRID, 0))
_W = pl.BlockSpec((FDIM, FDIM), lambda i: (0, 0))
_B = pl.BlockSpec((1, FDIM), lambda i: (0, 0))
_O = pl.BlockSpec((R, FDIM), lambda i: (i, 0))


def _mm_relu(agg, deg2, w, b):
    return pl.pallas_call(
        _mm_relu_body,
        grid=(GRID,),
        in_specs=[_A0, _A1, _D0, _D1, _W, _B],
        out_specs=_O,
        out_shape=jax.ShapeDtypeStruct((NPAD, FDIM), jnp.bfloat16),
    )(agg, agg, deg2, deg2, w, b)


def _mm_fused(agg, deg2, w2, b2, w3, b3):
    return pl.pallas_call(
        _mm_fused_body,
        grid=(GRID,),
        in_specs=[_A0, _A1, _D0, _D1, _W, _B, _W, _B],
        out_specs=_O,
        out_shape=jax.ShapeDtypeStruct((NPAD, FDIM), jnp.float32),
    )(agg, agg, deg2, deg2, w2, b2, w3, b3)


def kernel(x, edge_index, W1, b1, W2, b2, W3, b3):
    ei = edge_index.astype(jnp.int32).reshape(2, NW, 10000)
    pad_dst = jnp.broadcast_to(
        N_NODES + (jnp.arange(NPW, dtype=jnp.int32) % (NPAD - N_NODES)),
        (NW, NPW))
    pad_src = jnp.zeros((NW, NPW), jnp.int32)
    src = jnp.concatenate([ei[0], pad_src], axis=1)
    dst = jnp.concatenate([ei[1], pad_dst], axis=1)
    ei2d = jnp.concatenate([src, dst], axis=0).reshape(2 * EROWS, K)
    z2 = jnp.zeros((SLAB, FDIM), jnp.bfloat16)
    z1 = jnp.zeros((SLAB,), jnp.float32)

    agg1, deg = _sc_aggregate(x.astype(jnp.bfloat16), ei2d, z2, z1,
                              with_deg=True)
    deg2 = deg.reshape(NC * NPAD, 1)
    h1 = _mm_relu(agg1, deg2, W1, b1[None, :])
    (agg2,) = _sc_aggregate(h1, ei2d, z2, z1, with_deg=False)
    out = _mm_fused(agg2, deg2, W2, b2[None, :], W3, b3[None, :])
    return out[:N_NODES]

# --- scband reference (transcript-rebuilt; emitter-appended) ---
"""Pipeline reference for scband-base-gnn-59030030516945 (READ-ONLY COPY).

The authoritative reference and input builder live on the scoring server;
editing this copy changes nothing except your own understanding.
"""

import jax, jax.numpy as jnp
import numpy as np

N = 10000
E = 320000
D = 128
H = 128
O = 128


def setup_inputs(seed: int = 0) -> dict:
    key = jax.random.key(seed)
    ks = jax.random.split(key, 8)
    x = jax.random.normal(ks[0], (N, D), dtype=jnp.float32)
    edge_index = jax.random.randint(ks[1], (2, E), 0, N)
    W1 = jax.random.normal(ks[2], (D, H), dtype=jnp.float32) * 0.05
    b1 = jnp.zeros((H,), dtype=jnp.float32)
    W2 = jax.random.normal(ks[3], (H, H), dtype=jnp.float32) * 0.05
    b2 = jnp.zeros((H,), dtype=jnp.float32)
    W3 = jax.random.normal(ks[4], (H, O), dtype=jnp.float32) * 0.05
    b3 = jnp.zeros((O,), dtype=jnp.float32)
    return {"x": x, "edge_index": edge_index, "W1": W1, "b1": b1, "W2": W2, "b2": b2, "W3": W3, "b3": b3}


def reference(x, edge_index, W1, b1, W2, b2, W3, b3):
    # BaseGNN with layers_pre_num=0 (pre MLP is identity),
    # layers_gnn_num=2 (mean-aggregation message passing + linear + relu),
    # layers_post_num=1 (single linear output layer), pooling=None, stage_type=stack.
    src = edge_index[0]
    dst = edge_index[1]
    n = x.shape[0]
    deg = jnp.zeros((n,), dtype=x.dtype).at[dst].add(1.0)
    deg = jnp.clip(deg, 1.0, None)

    def mp_layer(h, W, b, act):
        msgs = h[src]  # gather source node features per edge
        agg = jnp.zeros((n, h.shape[1]), dtype=h.dtype).at[dst].add(msgs)  # scatter-add
        agg = agg / deg[:, None]
        out = agg @ W + b
        if act:
            out = jax.nn.relu(out)
        return out

    h = mp_layer(x, W1, b1, True)
    h = mp_layer(h, W2, b2, True)  # act_last=True since layers_post_num > 0
    out = h @ W3 + b3  # post MLP, single linear layer (drop_last, no activation)
    return out

if __name__ == "__main__":
    import jax
    _d = setup_inputs()
    print(jax.jit(kernel)(*tuple(_d.values())))

</pallas_src>

<mosaic_0001>
#map = affine_map<(d0, d1) -> (0, 0)>
#map1 = affine_map<(d0, d1) -> (0)>
module attributes {stable_mosaic.version = 14 : i64} {
  func.func @body(%arg0: i32, %arg1: i32, %arg2: memref<10000x128xbf16, #tpu.memory_space<hbm>>, %arg3: memref<5120x128xi32, #tpu.memory_space<hbm>>, %arg4: memref<640x128xbf16, #tpu.memory_space<hbm>>, %arg5: memref<640xf32, #tpu.memory_space<hbm>>, %arg6: memref<20480x128xbf16, #tpu.memory_space<hbm>>, %arg7: memref<20480xf32, #tpu.memory_space<hbm>>, %arg8: memref<80x128xi32, #tpu.memory_space<vmem>>, %arg9: memref<80x128xi32, #tpu.memory_space<vmem>>, %arg10: memref<128x128xbf16, #tpu.memory_space<vmem>>, %arg11: memref<128x128xbf16, #tpu.memory_space<vmem>>, %arg12: memref<128xf32, #tpu.memory_space<vmem>>, %arg13: memref<10240x128xbf16, #tpu.memory_space<vmem_shared>>, %arg14: memref<10240xf32, #tpu.memory_space<vmem_shared>>, %arg15: memref<!tpu.dma_semaphore, #tpu.memory_space<semaphore_mem>>, %arg16: memref<!tpu.dma_semaphore, #tpu.memory_space<semaphore_mem>>, %arg17: memref<!tpu.dma_semaphore, #tpu.memory_space<semaphore_mem>>, %arg18: memref<!tpu.dma_semaphore, #tpu.memory_space<semaphore_mem>>) attributes {dimension_semantics = [#tpu.dimension_semantics<core_parallel>, #tpu.dimension_semantics<subcore_parallel>], iteration_bounds = array<i64: 2, 16>, scalar_prefetch = 0 : i64, scratch_operands = 11 : i64, tpu.core_type = #tpu.core_type<sc_vector_subcore>, window_params = [{transform_indices = #map}, {transform_indices = #map}, {transform_indices = #map}, {transform_indices = #map1}, {transform_indices = #map}, {transform_indices = #map1}]} {
    %mul3A = arith.constant 640 : i32
    %mul3A_0 = arith.muli %arg1, %mul3A : i32
    %mul3A_1 = arith.constant 16 : i32
    %mul3A_2 = arith.muli %arg0, %mul3A_1 : i32
    %add3A = arith.addi %mul3A_2, %arg1 : i32
    "tpu.region"() ({
      %run_scoped3A = tpu.sem_alloc : memref<!tpu.dma_semaphore, #tpu.memory_space<semaphore_mem>>
      %dma_start3A_182 = arith.constant 0 : i32
      %dma_start3A_183 = tpu.memref_slice %arg13[%mul3A_0, %dma_start3A_182] : memref<10240x128xbf16, #tpu.memory_space<vmem_shared>> -> memref<640x128xbf16, #tpu.memory_space<vmem_shared>>
      tpu.enqueue_dma source(%arg4 : memref<640x128xbf16, #tpu.memory_space<hbm>>) target(%dma_start3A_183 : memref<640x128xbf16, #tpu.memory_space<vmem_shared>>) target_semaphore(%run_scoped3A : memref<!tpu.dma_semaphore, #tpu.memory_space<semaphore_mem>>)
      %dma_wait3A_184 = arith.constant 0 : i32
      %dma_wait3A_185 = tpu.memref_slice %arg13[%mul3A_0, %dma_wait3A_184] : memref<10240x128xbf16, #tpu.memory_space<vmem_shared>> -> memref<640x128xbf16, #tpu.memory_space<vmem_shared>>
      tpu.wait_dma2 semaphore(%run_scoped3A : memref<!tpu.dma_semaphore, #tpu.memory_space<semaphore_mem>>) src(%arg4 : memref<640x128xbf16, #tpu.memory_space<hbm>>) dst(%dma_wait3A_185 : memref<640x128xbf16, #tpu.memory_space<vmem_shared>>)
      tpu.yield
    }) : () -> ()
    "tpu.region"() ({
      %run_scoped3A = tpu.sem_alloc : memref<!tpu.dma_semaphore, #tpu.memory_space<semaphore_mem>>
      %dma_start3A_182 = tpu.memref_slice %arg14[%mul3A_0] : memref<10240xf32, #tpu.memory_space<vmem_shared>> -> memref<640xf32, #tpu.memory_space<vmem_shared>>
      tpu.enqueue_dma source(%arg5 : memref<640xf32, #tpu.memory_space<hbm>>) target(%dma_start3A_182 : memref<640xf32, #tpu.memory_space<vmem_shared>>) target_semaphore(%run_scoped3A : memref<!tpu.dma_semaphore, #tpu.memory_space<semaphore_mem>>)
      %dma_wait3A_183 = tpu.memref_slice %arg14[%mul3A_0] : memref<10240xf32, #tpu.memory_space<vmem_shared>> -> memref<640xf32, #tpu.memory_space<vmem_shared>>
      tpu.wait_dma2 semaphore(%run_scoped3A : memref<!tpu.dma_semaphore, #tpu.memory_space<semaphore_mem>>) src(%arg5 : memref<640xf32, #tpu.memory_space<hbm>>) dst(%dma_wait3A_183 : memref<640xf32, #tpu.memory_space<vmem_shared>>)
      tpu.yield
    }) : () -> ()
    %broadcast_in_dim3A = arith.constant 1.000000e+00 : f32
    %broadcast_in_dim3A_3 = vector.broadcast %broadcast_in_dim3A : f32 to vector<16xf32>
    %swap3A = arith.constant 0 : index
    %swap3A_4 = tpu.vector_load %arg12[%swap3A] {strides = array<i32>} : memref<128xf32, #tpu.memory_space<vmem>>, vector<16xf32>,
    %swap3A_5 = vector.shape_cast %swap3A_4 : vector<16xf32> to vector<16xf32>
    %swap3A_6 = vector.shape_cast %broadcast_in_dim3A_3 : vector<16xf32> to vector<16xf32>
    tpu.vector_store %arg12[%swap3A], %swap3A_6 {strides = array<i32>} : memref<128xf32, #tpu.memory_space<vmem>>, vector<16xf32>,
    %broadcast_in_dim3A_7 = arith.constant 1.000000e+00 : f32
    %broadcast_in_dim3A_8 = vector.broadcast %broadcast_in_dim3A_7 : f32 to vector<16xf32>
    %swap3A_9 = arith.constant 16 : index
    %swap3A_10 = tpu.vector_load %arg12[%swap3A_9] {strides = array<i32>} : memref<128xf32, #tpu.memory_space<vmem>>, vector<16xf32>,
    %swap3A_11 = vector.shape_cast %swap3A_10 : vector<16xf32> to vector<16xf32>
    %swap3A_12 = vector.shape_cast %broadcast_in_dim3A_8 : vector<16xf32> to vector<16xf32>
    tpu.vector_store %arg12[%swap3A_9], %swap3A_12 {strides = array<i32>} : memref<128xf32, #tpu.memory_space<vmem>>, vector<16xf32>,
    %broadcast_in_dim3A_13 = arith.constant 1.000000e+00 : f32
    %broadcast_in_dim3A_14 = vector.broadcast %broadcast_in_dim3A_13 : f32 to vector<16xf32>
    %swap3A_15 = arith.constant 32 : index
    %swap3A_16 = tpu.vector_load %arg12[%swap3A_15] {strides = array<i32>} : memref<128xf32, #tpu.memory_space<vmem>>, vector<16xf32>,
    %swap3A_17 = vector.shape_cast %swap3A_16 : vector<16xf32> to vector<16xf32>
    %swap3A_18 = vector.shape_cast %broadcast_in_dim3A_14 : vector<16xf32> to vector<16xf32>
    tpu.vector_store %arg12[%swap3A_15], %swap3A_18 {strides = array<i32>} : memref<128xf32, #tpu.memory_space<vmem>>, vector<16xf32>,
    %broadcast_in_dim3A_19 = arith.constant 1.000000e+00 : f32
    %broadcast_in_dim3A_20 = vector.broadcast %broadcast_in_dim3A_19 : f32 to vector<16xf32>
    %swap3A_21 = arith.constant 48 : index
    %swap3A_22 = tpu.vector_load %arg12[%swap3A_21] {strides = array<i32>} : memref<128xf32, #tpu.memory_space<vmem>>, vector<16xf32>,
    %swap3A_23 = vector.shape_cast %swap3A_22 : vector<16xf32> to vector<16xf32>
    %swap3A_24 = vector.shape_cast %broadcast_in_dim3A_20 : vector<16xf32> to vector<16xf32>
    tpu.vector_store %arg12[%swap3A_21], %swap3A_24 {strides = array<i32>} : memref<128xf32, #tpu.memory_space<vmem>>, vector<16xf32>,
    %broadcast_in_dim3A_25 = arith.constant 1.000000e+00 : f32
    %broadcast_in_dim3A_26 = vector.broadcast %broadcast_in_dim3A_25 : f32 to vector<16xf32>
    %swap3A_27 = arith.constant 64 : index
    %swap3A_28 = tpu.vector_load %arg12[%swap3A_27] {strides = array<i32>} : memref<128xf32, #tpu.memory_space<vmem>>, vector<16xf32>,
    %swap3A_29 = vector.shape_cast %swap3A_28 : vector<16xf32> to vector<16xf32>
    %swap3A_30 = vector.shape_cast %broadcast_in_dim3A_26 : vector<16xf32> to vector<16xf32>
    tpu.vector_store %arg12[%swap3A_27], %swap3A_30 {strides = array<i32>} : memref<128xf32, #tpu.memory_space<vmem>>, vector<16xf32>,
    %broadcast_in_dim3A_31 = arith.constant 1.000000e+00 : f32
    %broadcast_in_dim3A_32 = vector.broadcast %broadcast_in_dim3A_31 : f32 to vector<16xf32>
    %swap3A_33 = arith.constant 80 : index
    %swap3A_34 = tpu.vector_load %arg12[%swap3A_33] {strides = array<i32>} : memref<128xf32, #tpu.memory_space<vmem>>, vector<16xf32>,
    %swap3A_35 = vector.shape_cast %swap3A_34 : vector<16xf32> to vector<16xf32>
    %swap3A_36 = vector.shape_cast %broadcast_in_dim3A_32 : vector<16xf32> to vector<16xf32>
    tpu.vector_store %arg12[%swap3A_33], %swap3A_36 {strides = array<i32>} : memref<128xf32, #tpu.memory_space<vmem>>, vector<16xf32>,
    %broadcast_in_dim3A_37 = arith.constant 1.000000e+00 : f32
    %broadcast_in_dim3A_38 = vector.broadcast %broadcast_in_dim3A_37 : f32 to vector<16xf32>
    %swap3A_39 = arith.constant 96 : index
    %swap3A_40 = tpu.vector_load %arg12[%swap3A_39] {strides = array<i32>} : memref<128xf32, #tpu.memory_space<vmem>>, vector<16xf32>,
    %swap3A_41 = vector.shape_cast %swap3A_40 : vector<16xf32> to vector<16xf32>
    %swap3A_42 = vector.shape_cast %broadcast_in_dim3A_38 : vector<16xf32> to vector<16xf32>
    tpu.vector_store %arg12[%swap3A_39], %swap3A_42 {strides = array<i32>} : memref<128xf32, #tpu.memory_space<vmem>>, vector<16xf32>,
    %broadcast_in_dim3A_43 = arith.constant 1.000000e+00 : f32
    %broadcast_in_dim3A_44 = vector.broadcast %broadcast_in_dim3A_43 : f32 to vector<16xf32>
    %swap3A_45 = arith.constant 112 : index
    %swap3A_46 = tpu.vector_load %arg12[%swap3A_45] {strides = array<i32>} : memref<128xf32, #tpu.memory_space<vmem>>, vector<16xf32>,
    %swap3A_47 = vector.shape_cast %swap3A_46 : vector<16xf32> to vector<16xf32>
    %swap3A_48 = vector.shape_cast %broadcast_in_dim3A_44 : vector<16xf32> to vector<16xf32>
    tpu.vector_store %arg12[%swap3A_45], %swap3A_48 {strides = array<i32>} : memref<128xf32, #tpu.memory_space<vmem>>, vector<16xf32>,
    %mul3A_49 = arith.constant 80 : i32
    %mul3A_50 = arith.muli %add3A, %mul3A_49 : i32
    "tpu.region"() ({
      %run_scoped3A = tpu.sem_alloc : memref<!tpu.dma_semaphore, #tpu.memory_space<semaphore_mem>>
      %dma_start3A_182 = arith.constant 0 : i32
      %dma_start3A_183 = tpu.memref_slice %arg3[%mul3A_50, %dma_start3A_182] : memref<5120x128xi32, #tpu.memory_space<hbm>> -> memref<80x128xi32, #tpu.memory_space<hbm>>
      %dma_start3A_184 = arith.constant 0 : i32
      %dma_start3A_185 = tpu.memref_slice %arg3[%mul3A_50, %dma_start3A_184] : memref<5120x128xi32, #tpu.memory_space<hbm>> -> memref<80x128xi32, #tpu.memory_space<hbm>>
      tpu.enqueue_dma source(%dma_start3A_185 : memref<80x128xi32, #tpu.memory_space<hbm>>) target(%arg8 : memref<80x128xi32, #tpu.memory_space<vmem>>) target_semaphore(%run_scoped3A : memref<!tpu.dma_semaphore, #tpu.memory_space<semaphore_mem>>)
      %dma_wait3A_186 = arith.constant 0 : i32
      %dma_wait3A_187 = tpu.memref_slice %arg3[%mul3A_50, %dma_wait3A_186] : memref<5120x128xi32, #tpu.memory_space<hbm>> -> memref<80x128xi32, #tpu.memory_space<hbm>>
      %dma_wait3A_188 = arith.constant 0 : i32
      %dma_wait3A_189 = tpu.memref_slice %arg3[%mul3A_50, %dma_wait3A_188] : memref<5120x128xi32, #tpu.memory_space<hbm>> -> memref<80x128xi32, #tpu.memory_space<hbm>>
      tpu.wait_dma2 semaphore(%run_scoped3A : memref<!tpu.dma_semaphore, #tpu.memory_space<semaphore_mem>>) src(%dma_wait3A_189 : memref<80x128xi32, #tpu.memory_space<hbm>>) dst(%arg8 : memref<80x128xi32, #tpu.memory_space<vmem>>)
      tpu.yield
    }) : () -> ()
    %mul3A_51 = arith.constant 80 : i32
    %mul3A_52 = arith.muli %add3A, %mul3A_51 : i32
    %add3A_53 = arith.constant 2560 : i32
    %add3A_54 = arith.addi %add3A_53, %mul3A_52 : i32
    "tpu.region"() ({
      %run_scoped3A = tpu.sem_alloc : memref<!tpu.dma_semaphore, #tpu.memory_space<semaphore_mem>>
      %dma_start3A_182 = arith.constant 0 : i32
      %dma_start3A_183 = tpu.memref_slice %arg3[%add3A_54, %dma_start3A_182] : memref<5120x128xi32, #tpu.memory_space<hbm>> -> memref<80x128xi32, #tpu.memory_space<hbm>>
      %dma_start3A_184 = arith.constant 0 : i32
      %dma_start3A_185 = tpu.memref_slice %arg3[%add3A_54, %dma_start3A_184] : memref<5120x128xi32, #tpu.memory_space<hbm>> -> memref<80x128xi32, #tpu.memory_space<hbm>>
      tpu.enqueue_dma source(%dma_start3A_185 : memref<80x128xi32, #tpu.memory_space<hbm>>) target(%arg9 : memref<80x128xi32, #tpu.memory_space<vmem>>) target_semaphore(%run_scoped3A : memref<!tpu.dma_semaphore, #tpu.memory_space<semaphore_mem>>)
      %dma_wait3A_186 = arith.constant 0 : i32
      %dma_wait3A_187 = tpu.memref_slice %arg3[%add3A_54, %dma_wait3A_186] : memref<5120x128xi32, #tpu.memory_space<hbm>> -> memref<80x128xi32, #tpu.memory_space<hbm>>
      %dma_wait3A_188 = arith.constant 0 : i32
      %dma_wait3A_189 = tpu.memref_slice %arg3[%add3A_54, %dma_wait3A_188] : memref<5120x128xi32, #tpu.memory_space<hbm>> -> memref<80x128xi32, #tpu.memory_space<hbm>>
      tpu.wait_dma2 semaphore(%run_scoped3A : memref<!tpu.dma_semaphore, #tpu.memory_space<semaphore_mem>>) src(%dma_wait3A_189 : memref<80x128xi32, #tpu.memory_space<hbm>>) dst(%arg9 : memref<80x128xi32, #tpu.memory_space<vmem>>)
      tpu.yield
    }) : () -> ()
    %barrier3A = arith.constant 0 : index
    tpu.barrier barrier_id(%barrier3A)
    %dma_start3A = arith.constant 0 : i32
    %dma_start3A_55 = arith.constant 0 : i32
    %dma_start3A_56 = tpu.memref_slice %arg8[%dma_start3A, %dma_start3A_55] : memref<80x128xi32, #tpu.memory_space<vmem>> -> memref<1x128xi32, #tpu.memory_space<vmem>>
    %dma_start3A_57 = tpu.memref_squeeze %dma_start3A_56 : memref<1x128xi32, #tpu.memory_space<vmem>> -> memref<128xi32, #tpu.memory_space<vmem>>
    %dma_start3A_58 = arith.constant 0 : i32
    %dma_start3A_59 = arith.constant 0 : i32
    %dma_start3A_60 = tpu.memref_slice %arg2[%dma_start3A_58, %dma_start3A_59] : memref<10000x128xbf16, #tpu.memory_space<hbm>> -> memref<10000x128xbf16, #tpu.memory_space<hbm>>
    tpu.enqueue_indirect_dma source(%dma_start3A_60 : memref<10000x128xbf16, #tpu.memory_space<hbm>>) target(%arg10 : memref<128x128xbf16, #tpu.memory_space<vmem>>) offsets(%dma_start3A_57 : memref<128xi32, #tpu.memory_space<vmem>>) semaphore(%arg15 : memref<!tpu.dma_semaphore, #tpu.memory_space<semaphore_mem>>)
    %dma_start3A_61 = arith.constant 1 : i32
    %dma_start3A_62 = arith.constant 0 : i32
    %dma_start3A_63 = tpu.memref_slice %arg8[%dma_start3A_61, %dma_start3A_62] : memref<80x128xi32, #tpu.memory_space<vmem>> -> memref<1x128xi32, #tpu.memory_space<vmem>>
    %dma_start3A_64 = tpu.memref_squeeze %dma_start3A_63 : memref<1x128xi32, #tpu.memory_space<vmem>> -> memref<128xi32, #tpu.memory_space<vmem>>
    %dma_start3A_65 = arith.constant 0 : i32
    %dma_start3A_66 = arith.constant 0 : i32
    %dma_start3A_67 = tpu.memref_slice %arg2[%dma_start3A_65, %dma_start3A_66] : memref<10000x128xbf16, #tpu.memory_space<hbm>> -> memref<10000x128xbf16, #tpu.memory_space<hbm>>
    tpu.enqueue_indirect_dma source(%dma_start3A_67 : memref<10000x128xbf16, #tpu.memory_space<hbm>>) target(%arg11 : memref<128x128xbf16, #tpu.memory_space<vmem>>) offsets(%dma_start3A_64 : memref<128xi32, #tpu.memory_space<vmem>>) semaphore(%arg16 : memref<!tpu.dma_semaphore, #tpu.memory_space<semaphore_mem>>)
    %scan3A = arith.constant 0 : i32
    %scan3A_68 = arith.constant 0 : i32
    %scan3A_69 = arith.constant 39 : i32
    %scan3A_70 = arith.addi %scan3A_68, %scan3A_69 : i32
    %scan3A_71 = arith.constant 1 : i32
    scf.for %scan3A_182 = %scan3A_68 to %scan3A_70 step %scan3A_71  : i32 {
      %mul3A_183 = arith.constant 2 : i32
      %mul3A_184 = arith.muli %mul3A_183, %scan3A_182 : i32
      %dma_wait3A_185 = arith.constant 0 : i32
      %dma_wait3A_186 = tpu.memref_slice %arg8[%mul3A_184, %dma_wait3A_185] : memref<80x128xi32, #tpu.memory_space<vmem>> -> memref<1x128xi32, #tpu.memory_space<vmem>>
      %dma_wait3A_187 = tpu.memref_squeeze %dma_wait3A_186 : memref<1x128xi32, #tpu.memory_space<vmem>> -> memref<128xi32, #tpu.memory_space<vmem>>
      %dma_wait3A_188 = arith.constant 0 : i32
      %dma_wait3A_189 = arith.constant 0 : i32
      %dma_wait3A_190 = tpu.memref_slice %arg2[%dma_wait3A_188, %dma_wait3A_189] : memref<10000x128xbf16, #tpu.memory_space<hbm>> -> memref<10000x128xbf16, #tpu.memory_space<hbm>>
      tpu.wait_indirect_dma semaphore(%arg15 : memref<!tpu.dma_semaphore, #tpu.memory_space<semaphore_mem>>) src(%dma_wait3A_190 : memref<10000x128xbf16, #tpu.memory_space<hbm>>) dst(%arg10 : memref<128x128xbf16, #tpu.memory_space<vmem>>)
      %dma_start3A_191 = arith.constant 0 : i32
      %dma_start3A_192 = tpu.memref_slice %arg9[%mul3A_184, %dma_start3A_191] : memref<80x128xi32, #tpu.memory_space<vmem>> -> memref<1x128xi32, #tpu.memory_space<vmem>>
      %dma_start3A_193 = tpu.memref_squeeze %dma_start3A_192 : memref<1x128xi32, #tpu.memory_space<vmem>> -> memref<128xi32, #tpu.memory_space<vmem>>
      %dma_start3A_194 = arith.constant 0 : i32
      %dma_start3A_195 = arith.constant 0 : i32
      %dma_start3A_196 = tpu.memref_slice %arg13[%dma_start3A_194, %dma_start3A_195] : memref<10240x128xbf16, #tpu.memory_space<vmem_shared>> -> memref<10240x128xbf16, #tpu.memory_space<vmem_shared>>
      tpu.enqueue_indirect_dma source(%arg10 : memref<128x128xbf16, #tpu.memory_space<vmem>>) target(%dma_start3A_196 : memref<10240x128xbf16, #tpu.memory_space<vmem_shared>>) offsets(%dma_start3A_193 : memref<128xi32, #tpu.memory_space<vmem>>) semaphore(%arg17 : memref<!tpu.dma_semaphore, #tpu.memory_space<semaphore_mem>>) {add = true}
      %dma_start3A_197 = arith.constant 0 : i32
      %dma_start3A_198 = tpu.memref_slice %arg9[%mul3A_184, %dma_start3A_197] : memref<80x128xi32, #tpu.memory_space<vmem>> -> memref<1x128xi32, #tpu.memory_space<vmem>>
      %dma_start3A_199 = tpu.memref_squeeze %dma_start3A_198 : memref<1x128xi32, #tpu.memory_space<vmem>> -> memref<128xi32, #tpu.memory_space<vmem>>
      %dma_start3A_200 = arith.constant 0 : i32
      %dma_start3A_201 = tpu.memref_slice %arg14[%dma_start3A_200] : memref<10240xf32, #tpu.memory_space<vmem_shared>> -> memref<10240xf32, #tpu.memory_space<vmem_shared>>
      tpu.enqueue_indirect_dma source(%arg12 : memref<128xf32, #tpu.memory_space<vmem>>) target(%dma_start3A_201 : memref<10240xf32, #tpu.memory_space<vmem_shared>>) offsets(%dma_start3A_199 : memref<128xi32, #tpu.memory_space<vmem>>) semaphore(%arg17 : memref<!tpu.dma_semaphore, #tpu.memory_space<semaphore_mem>>) {add = true}
      %add3A_202 = arith.constant 1 : i32
      %add3A_203 = arith.addi %mul3A_184, %add3A_202 : i32
      %dma_wait3A_204 = arith.constant 0 : i32
      %dma_wait3A_205 = tpu.memref_slice %arg8[%add3A_203, %dma_wait3A_204] : memref<80x128xi32, #tpu.memory_space<vmem>> -> memref<1x128xi32, #tpu.memory_space<vmem>>
      %dma_wait3A_206 = tpu.memref_squeeze %dma_wait3A_205 : memref<1x128xi32, #tpu.memory_space<vmem>> -> memref<128xi32, #tpu.memory_space<vmem>>
      %dma_wait3A_207 = arith.constant 0 : i32
      %dma_wait3A_208 = arith.constant 0 : i32
      %dma_wait3A_209 = tpu.memref_slice %arg2[%dma_wait3A_207, %dma_wait3A_208] : memref<10000x128xbf16, #tpu.memory_space<hbm>> -> memref<10000x128xbf16, #tpu.memory_space<hbm>>
      tpu.wait_indirect_dma semaphore(%arg16 : memref<!tpu.dma_semaphore, #tpu.memory_space<semaphore_mem>>) src(%dma_wait3A_209 : memref<10000x128xbf16, #tpu.memory_space<hbm>>) dst(%arg11 : memref<128x128xbf16, #tpu.memory_space<vmem>>)
      %add3A_210 = arith.constant 1 : i32
      %add3A_211 = arith.addi %mul3A_184, %add3A_210 : i32
      %dma_start3A_212 = arith.constant 0 : i32
      %dma_start3A_213 = tpu.memref_slice %arg9[%add3A_211, %dma_start3A_212] : memref<80x128xi32, #tpu.memory_space<vmem>> -> memref<1x128xi32, #tpu.memory_space<vmem>>
      %dma_start3A_214 = tpu.memref_squeeze %dma_start3A_213 : memref<1x128xi32, #tpu.memory_space<vmem>> -> memref<128xi32, #tpu.memory_space<vmem>>
      %dma_start3A_215 = arith.constant 0 : i32
      %dma_start3A_216 = arith.constant 0 : i32
      %dma_start3A_217 = tpu.memref_slice %arg13[%dma_start3A_215, %dma_start3A_216] : memref<10240x128xbf16, #tpu.memory_space<vmem_shared>> -> memref<10240x128xbf16, #tpu.memory_space<vmem_shared>>
      tpu.enqueue_indirect_dma source(%arg11 : memref<128x128xbf16, #tpu.memory_space<vmem>>) target(%dma_start3A_217 : memref<10240x128xbf16, #tpu.memory_space<vmem_shared>>) offsets(%dma_start3A_214 : memref<128xi32, #tpu.memory_space<vmem>>) semaphore(%arg18 : memref<!tpu.dma_semaphore, #tpu.memory_space<semaphore_mem>>) {add = true}
      %dma_start3A_218 = arith.constant 0 : i32
      %dma_start3A_219 = tpu.memref_slice %arg9[%add3A_211, %dma_start3A_218] : memref<80x128xi32, #tpu.memory_space<vmem>> -> memref<1x128xi32, #tpu.memory_space<vmem>>
      %dma_start3A_220 = tpu.memref_squeeze %dma_start3A_219 : memref<1x128xi32, #tpu.memory_space<vmem>> -> memref<128xi32, #tpu.memory_space<vmem>>
      %dma_start3A_221 = arith.constant 0 : i32
      %dma_start3A_222 = tpu.memref_slice %arg14[%dma_start3A_221] : memref<10240xf32, #tpu.memory_space<vmem_shared>> -> memref<10240xf32, #tpu.memory_space<vmem_shared>>
      tpu.enqueue_indirect_dma source(%arg12 : memref<128xf32, #tpu.memory_space<vmem>>) target(%dma_start3A_222 : memref<10240xf32, #tpu.memory_space<vmem_shared>>) offsets(%dma_start3A_220 : memref<128xi32, #tpu.memory_space<vmem>>) semaphore(%arg18 : memref<!tpu.dma_semaphore, #tpu.memory_space<semaphore_mem>>) {add = true}
      %dma_wait3A_223 = arith.constant 0 : i32
      %dma_wait3A_224 = tpu.memref_slice %arg9[%mul3A_184, %dma_wait3A_223] : memref<80x128xi32, #tpu.memory_space<vmem>> -> memref<1x128xi32, #tpu.memory_space<vmem>>
      %dma_wait3A_225 = tpu.memref_squeeze %dma_wait3A_224 : memref<1x128xi32, #tpu.memory_space<vmem>> -> memref<128xi32, #tpu.memory_space<vmem>>
      %dma_wait3A_226 = arith.constant 0 : i32
      %dma_wait3A_227 = arith.constant 0 : i32
      %dma_wait3A_228 = tpu.memref_slice %arg13[%dma_wait3A_226, %dma_wait3A_227] : memref<10240x128xbf16, #tpu.memory_space<vmem_shared>> -> memref<10240x128xbf16, #tpu.memory_space<vmem_shared>>
      tpu.wait_indirect_dma semaphore(%arg17 : memref<!tpu.dma_semaphore, #tpu.memory_space<semaphore_mem>>) src(%arg10 : memref<128x128xbf16, #tpu.memory_space<vmem>>) dst(%dma_wait3A_228 : memref<10240x128xbf16, #tpu.memory_space<vmem_shared>>)
      %dma_wait3A_229 = arith.constant 0 : i32
      %dma_wait3A_230 = tpu.memref_slice %arg9[%mul3A_184, %dma_wait3A_229] : memref<80x128xi32, #tpu.memory_space<vmem>> -> memref<1x128xi32, #tpu.memory_space<vmem>>
      %dma_wait3A_231 = tpu.memref_squeeze %dma_wait3A_230 : memref<1x128xi32, #tpu.memory_space<vmem>> -> memref<128xi32, #tpu.memory_space<vmem>>
      %dma_wait3A_232 = arith.constant 0 : i32
      %dma_wait3A_233 = tpu.memref_slice %arg14[%dma_wait3A_232] : memref<10240xf32, #tpu.memory_space<vmem_shared>> -> memref<10240xf32, #tpu.memory_space<vmem_shared>>
      tpu.wait_indirect_dma semaphore(%arg17 : memref<!tpu.dma_semaphore, #tpu.memory_space<semaphore_mem>>) src(%arg12 : memref<128xf32, #tpu.memory_space<vmem>>) dst(%dma_wait3A_233 : memref<10240xf32, #tpu.memory_space<vmem_shared>>)
      %add3A_234 = arith.constant 2 : i32
      %add3A_235 = arith.addi %mul3A_184, %add3A_234 : i32
      %dma_start3A_236 = arith.constant 0 : i32
      %dma_start3A_237 = tpu.memref_slice %arg8[%add3A_235, %dma_start3A_236] : memref<80x128xi32, #tpu.memory_space<vmem>> -> memref<1x128xi32, #tpu.memory_space<vmem>>
      %dma_start3A_238 = tpu.memref_squeeze %dma_start3A_237 : memref<1x128xi32, #tpu.memory_space<vmem>> -> memref<128xi32, #tpu.memory_space<vmem>>
      %dma_start3A_239 = arith.constant 0 : i32
      %dma_start3A_240 = arith.constant 0 : i32
      %dma_start3A_241 = tpu.memref_slice %arg2[%dma_start3A_239, %dma_start3A_240] : memref<10000x128xbf16, #tpu.memory_space<hbm>> -> memref<10000x128xbf16, #tpu.memory_space<hbm>>
      tpu.enqueue_indirect_dma source(%dma_start3A_241 : memref<10000x128xbf16, #tpu.memory_space<hbm>>) target(%arg10 : memref<128x128xbf16, #tpu.memory_space<vmem>>) offsets(%dma_start3A_238 : memref<128xi32, #tpu.memory_space<vmem>>) semaphore(%arg15 : memref<!tpu.dma_semaphore, #tpu.memory_space<semaphore_mem>>)
      %add3A_242 = arith.constant 1 : i32
      %add3A_243 = arith.addi %mul3A_184, %add3A_242 : i32
      %dma_wait3A_244 = arith.constant 0 : i32
      %dma_wait3A_245 = tpu.memref_slice %arg9[%add3A_243, %dma_wait3A_244] : memref<80x128xi32, #tpu.memory_space<vmem>> -> memref<1x128xi32, #tpu.memory_space<vmem>>
      %dma_wait3A_246 = tpu.memref_squeeze %dma_wait3A_245 : memref<1x128xi32, #tpu.memory_space<vmem>> -> memref<128xi32, #tpu.memory_space<vmem>>
      %dma_wait3A_247 = arith.constant 0 : i32
      %dma_wait3A_248 = arith.constant 0 : i32
      %dma_wait3A_249 = tpu.memref_slice %arg13[%dma_wait3A_247, %dma_wait3A_248] : memref<10240x128xbf16, #tpu.memory_space<vmem_shared>> -> memref<10240x128xbf16, #tpu.memory_space<vmem_shared>>
      tpu.wait_indirect_dma semaphore(%arg18 : memref<!tpu.dma_semaphore, #tpu.memory_space<semaphore_mem>>) src(%arg11 : memref<128x128xbf16, #tpu.memory_space<vmem>>) dst(%dma_wait3A_249 : memref<10240x128xbf16, #tpu.memory_space<vmem_shared>>)
      %dma_wait3A_250 = arith.constant 0 : i32
      %dma_wait3A_251 = tpu.memref_slice %arg9[%add3A_243, %dma_wait3A_250] : memref<80x128xi32, #tpu.memory_space<vmem>> -> memref<1x128xi32, #tpu.memory_space<vmem>>
      %dma_wait3A_252 = tpu.memref_squeeze %dma_wait3A_251 : memref<1x128xi32, #tpu.memory_space<vmem>> -> memref<128xi32, #tpu.memory_space<vmem>>
      %dma_wait3A_253 = arith.constant 0 : i32
      %dma_wait3A_254 = tpu.memref_slice %arg14[%dma_wait3A_253] : memref<10240xf32, #tpu.memory_space<vmem_shared>> -> memref<10240xf32, #tpu.memory_space<vmem_shared>>
      tpu.wait_indirect_dma semaphore(%arg18 : memref<!tpu.dma_semaphore, #tpu.memory_space<semaphore_mem>>) src(%arg12 : memref<128xf32, #tpu.memory_space<vmem>>) dst(%dma_wait3A_254 : memref<10240xf32, #tpu.memory_space<vmem_shared>>)
      %add3A_255 = arith.constant 3 : i32
      %add3A_256 = arith.addi %mul3A_184, %add3A_255 : i32
      %dma_start3A_257 = arith.constant 0 : i32
      %dma_start3A_258 = tpu.memref_slice %arg8[%add3A_256, %dma_start3A_257] : memref<80x128xi32, #tpu.memory_space<vmem>> -> memref<1x128xi32, #tpu.memory_space<vmem>>
      %dma_start3A_259 = tpu.memref_squeeze %dma_start3A_258 : memref<1x128xi32, #tpu.memory_space<vmem>> -> memref<128xi32, #tpu.memory_space<vmem>>
      %dma_start3A_260 = arith.constant 0 : i32
      %dma_start3A_261 = arith.constant 0 : i32
      %dma_start3A_262 = tpu.memref_slice %arg2[%dma_start3A_260, %dma_start3A_261] : memref<10000x128xbf16, #tpu.memory_space<hbm>> -> memref<10000x128xbf16, #tpu.memory_space<hbm>>
      tpu.enqueue_indirect_dma source(%dma_start3A_262 : memref<10000x128xbf16, #tpu.memory_space<hbm>>) target(%arg11 : memref<128x128xbf16, #tpu.memory_space<vmem>>) offsets(%dma_start3A_259 : memref<128xi32, #tpu.memory_space<vmem>>) semaphore(%arg16 : memref<!tpu.dma_semaphore, #tpu.memory_space<semaphore_mem>>)
    }
    %scan3A_72 = arith.constant 39 : i32
    %dma_wait3A = arith.constant 77 : i32
    %dma_wait3A_73 = arith.constant 0 : i32
    %dma_wait3A_74 = tpu.memref_slice %arg8[%dma_wait3A, %dma_wait3A_73] : memref<80x128xi32, #tpu.memory_space<vmem>> -> memref<1x128xi32, #tpu.memory_space<vmem>>
    %dma_wait3A_75 = tpu.memref_squeeze %dma_wait3A_74 : memref<1x128xi32, #tpu.memory_space<vmem>> -> memref<128xi32, #tpu.memory_space<vmem>>
    %dma_wait3A_76 = arith.constant 0 : i32
    %dma_wait3A_77 = arith.constant 0 : i32
    %dma_wait3A_78 = tpu.memref_slice %arg2[%dma_wait3A_76, %dma_wait3A_77] : memref<10000x128xbf16, #tpu.memory_space<hbm>> -> memref<10000x128xbf16, #tpu.memory_space<hbm>>
    tpu.wait_indirect_dma semaphore(%arg15 : memref<!tpu.dma_semaphore, #tpu.memory_space<semaphore_mem>>) src(%dma_wait3A_78 : memref<10000x128xbf16, #tpu.memory_space<hbm>>) dst(%arg10 : memref<128x128xbf16, #tpu.memory_space<vmem>>)
    %dma_start3A_79 = arith.constant 77 : i32
    %dma_start3A_80 = arith.constant 0 : i32
    %dma_start3A_81 = tpu.memref_slice %arg9[%dma_start3A_79, %dma_start3A_80] : memref<80x128xi32, #tpu.memory_space<vmem>> -> memref<1x128xi32, #tpu.memory_space<vmem>>
    %dma_start3A_82 = tpu.memref_squeeze %dma_start3A_81 : memref<1x128xi32, #tpu.memory_space<vmem>> -> memref<128xi32, #tpu.memory_space<vmem>>
    %dma_start3A_83 = arith.constant 0 : i32
    %dma_start3A_84 = arith.constant 0 : i32
    %dma_start3A_85 = tpu.memref_slice %arg13[%dma_start3A_83, %dma_start3A_84] : memref<10240x128xbf16, #tpu.memory_space<vmem_shared>> -> memref<10240x128xbf16, #tpu.memory_space<vmem_shared>>
    tpu.enqueue_indirect_dma source(%arg10 : memref<128x128xbf16, #tpu.memory_space<vmem>>) target(%dma_start3A_85 : memref<10240x128xbf16, #tpu.memory_space<vmem_shared>>) offsets(%dma_start3A_82 : memref<128xi32, #tpu.memory_space<vmem>>) semaphore(%arg17 : memref<!tpu.dma_semaphore, #tpu.memory_space<semaphore_mem>>) {add = true}
    %dma_start3A_86 = arith.constant 77 : i32
    %dma_start3A_87 = arith.constant 0 : i32
    %dma_start3A_88 = tpu.memref_slice %arg9[%dma_start3A_86, %dma_start3A_87] : memref<80x128xi32, #tpu.memory_space<vmem>> -> memref<1x128xi32, #tpu.memory_space<vmem>>
    %dma_start3A_89 = tpu.memref_squeeze %dma_start3A_88 : memref<1x128xi32, #tpu.memory_space<vmem>> -> memref<128xi32, #tpu.memory_space<vmem>>
    %dma_start3A_90 = arith.constant 0 : i32
    %dma_start3A_91 = tpu.memref_slice %arg14[%dma_start3A_90] : memref<10240xf32, #tpu.memory_space<vmem_shared>> -> memref<10240xf32, #tpu.memory_space<vmem_shared>>
    tpu.enqueue_indirect_dma source(%arg12 : memref<128xf32, #tpu.memory_space<vmem>>) target(%dma_start3A_91 : memref<10240xf32, #tpu.memory_space<vmem_shared>>) offsets(%dma_start3A_89 : memref<128xi32, #tpu.memory_space<vmem>>) semaphore(%arg17 : memref<!tpu.dma_semaphore, #tpu.memory_space<semaphore_mem>>) {add = true}
    %dma_wait3A_92 = arith.constant 78 : i32
    %dma_wait3A_93 = arith.constant 0 : i32
    %dma_wait3A_94 = tpu.memref_slice %arg8[%dma_wait3A_92, %dma_wait3A_93] : memref<80x128xi32, #tpu.memory_space<vmem>> -> memref<1x128xi32, #tpu.memory_space<vmem>>
    %dma_wait3A_95 = tpu.memref_squeeze %dma_wait3A_94 : memref<1x128xi32, #tpu.memory_space<vmem>> -> memref<128xi32, #tpu.memory_space<vmem>>
    %dma_wait3A_96 = arith.constant 0 : i32
    %dma_wait3A_97 = arith.constant 0 : i32
    %dma_wait3A_98 = tpu.memref_slice %arg2[%dma_wait3A_96, %dma_wait3A_97] : memref<10000x128xbf16, #tpu.memory_space<hbm>> -> memref<10000x128xbf16, #tpu.memory_space<hbm>>
    tpu.wait_indirect_dma semaphore(%arg16 : memref<!tpu.dma_semaphore, #tpu.memory_space<semaphore_mem>>) src(%dma_wait3A_98 : memref<10000x128xbf16, #tpu.memory_space<hbm>>) dst(%arg11 : memref<128x128xbf16, #tpu.memory_space<vmem>>)
    %dma_start3A_99 = arith.constant 78 : i32
    %dma_start3A_100 = arith.constant 0 : i32
    %dma_start3A_101 = tpu.memref_slice %arg9[%dma_start3A_99, %dma_start3A_100] : memref<80x128xi32, #tpu.memory_space<vmem>> -> memref<1x128xi32, #tpu.memory_space<vmem>>
    %dma_start3A_102 = tpu.memref_squeeze %dma_start3A_101 : memref<1x128xi32, #tpu.memory_space<vmem>> -> memref<128xi32, #tpu.memory_space<vmem>>
    %dma_start3A_103 = arith.constant 0 : i32
    %dma_start3A_104 = arith.constant 0 : i32
    %dma_start3A_105 = tpu.memref_slice %arg13[%dma_start3A_103, %dma_start3A_104] : memref<10240x128xbf16, #tpu.memory_space<vmem_shared>> -> memref<10240x128xbf16, #tpu.memory_space<vmem_shared>>
    tpu.enqueue_indirect_dma source(%arg11 : memref<128x128xbf16, #tpu.memory_space<vmem>>) target(%dma_start3A_105 : memref<10240x128xbf16, #tpu.memory_space<vmem_shared>>) offsets(%dma_start3A_102 : memref<128xi32, #tpu.memory_space<vmem>>) semaphore(%arg18 : memref<!tpu.dma_semaphore, #tpu.memory_space<semaphore_mem>>) {add = true}
    %dma_start3A_106 = arith.constant 78 : i32
    %dma_start3A_107 = arith.constant 0 : i32
    %dma_start3A_108 = tpu.memref_slice %arg9[%dma_start3A_106, %dma_start3A_107] : memref<80x128xi32, #tpu.memory_space<vmem>> -> memref<1x128xi32, #tpu.memory_space<vmem>>
    %dma_start3A_109 = tpu.memref_squeeze %dma_start3A_108 : memref<1x128xi32, #tpu.memory_space<vmem>> -> memref<128xi32, #tpu.memory_space<vmem>>
    %dma_start3A_110 = arith.constant 0 : i32
    %dma_start3A_111 = tpu.memref_slice %arg14[%dma_start3A_110] : memref<10240xf32, #tpu.memory_space<vmem_shared>> -> memref<10240xf32, #tpu.memory_space<vmem_shared>>
    tpu.enqueue_indirect_dma source(%arg12 : memref<128xf32, #tpu.memory_space<vmem>>) target(%dma_start3A_111 : memref<10240xf32, #tpu.memory_space<vmem_shared>>) offsets(%dma_start3A_109 : memref<128xi32, #tpu.memory_space<vmem>>) semaphore(%arg18 : memref<!tpu.dma_semaphore, #tpu.memory_space<semaphore_mem>>) {add = true}
    %dma_wait3A_112 = arith.constant 77 : i32
    %dma_wait3A_113 = arith.constant 0 : i32
    %dma_wait3A_114 = tpu.memref_slice %arg9[%dma_wait3A_112, %dma_wait3A_113] : memref<80x128xi32, #tpu.memory_space<vmem>> -> memref<1x128xi32, #tpu.memory_space<vmem>>
    %dma_wait3A_115 = tpu.memref_squeeze %dma_wait3A_114 : memref<1x128xi32, #tpu.memory_space<vmem>> -> memref<128xi32, #tpu.memory_space<vmem>>
    %dma_wait3A_116 = arith.constant 0 : i32
    %dma_wait3A_117 = arith.constant 0 : i32
    %dma_wait3A_118 = tpu.memref_slice %arg13[%dma_wait3A_116, %dma_wait3A_117] : memref<10240x128xbf16, #tpu.memory_space<vmem_shared>> -> memref<10240x128xbf16, #tpu.memory_space<vmem_shared>>
    tpu.wait_indirect_dma semaphore(%arg17 : memref<!tpu.dma_semaphore, #tpu.memory_space<semaphore_mem>>) src(%arg10 : memref<128x128xbf16, #tpu.memory_space<vmem>>) dst(%dma_wait3A_118 : memref<10240x128xbf16, #tpu.memory_space<vmem_shared>>)
    %dma_wait3A_119 = arith.constant 77 : i32
    %dma_wait3A_120 = arith.constant 0 : i32
    %dma_wait3A_121 = tpu.memref_slice %arg9[%dma_wait3A_119, %dma_wait3A_120] : memref<80x128xi32, #tpu.memory_space<vmem>> -> memref<1x128xi32, #tpu.memory_space<vmem>>
    %dma_wait3A_122 = tpu.memref_squeeze %dma_wait3A_121 : memref<1x128xi32, #tpu.memory_space<vmem>> -> memref<128xi32, #tpu.memory_space<vmem>>
    %dma_wait3A_123 = arith.constant 0 : i32
    %dma_wait3A_124 = tpu.memref_slice %arg14[%dma_wait3A_123] : memref<10240xf32, #tpu.memory_space<vmem_shared>> -> memref<10240xf32, #tpu.memory_space<vmem_shared>>
    tpu.wait_indirect_dma semaphore(%arg17 : memref<!tpu.dma_semaphore, #tpu.memory_space<semaphore_mem>>) src(%arg12 : memref<128xf32, #tpu.memory_space<vmem>>) dst(%dma_wait3A_124 : memref<10240xf32, #tpu.memory_space<vmem_shared>>)
    %dma_start3A_125 = arith.constant 79 : i32
    %dma_start3A_126 = arith.constant 0 : i32
    %dma_start3A_127 = tpu.memref_slice %arg8[%dma_start3A_125, %dma_start3A_126] : memref<80x128xi32, #tpu.memory_space<vmem>> -> memref<1x128xi32, #tpu.memory_space<vmem>>
    %dma_start3A_128 = tpu.memref_squeeze %dma_start3A_127 : memref<1x128xi32, #tpu.memory_space<vmem>> -> memref<128xi32, #tpu.memory_space<vmem>>
    %dma_start3A_129 = arith.constant 0 : i32
    %dma_start3A_130 = arith.constant 0 : i32
    %dma_start3A_131 = tpu.memref_slice %arg2[%dma_start3A_129, %dma_start3A_130] : memref<10000x128xbf16, #tpu.memory_space<hbm>> -> memref<10000x128xbf16, #tpu.memory_space<hbm>>
    tpu.enqueue_indirect_dma source(%dma_start3A_131 : memref<10000x128xbf16, #tpu.memory_space<hbm>>) target(%arg10 : memref<128x128xbf16, #tpu.memory_space<vmem>>) offsets(%dma_start3A_128 : memref<128xi32, #tpu.memory_space<vmem>>) semaphore(%arg15 : memref<!tpu.dma_semaphore, #tpu.memory_space<semaphore_mem>>)
    %dma_wait3A_132 = arith.constant 79 : i32
    %dma_wait3A_133 = arith.constant 0 : i32
    %dma_wait3A_134 = tpu.memref_slice %arg8[%dma_wait3A_132, %dma_wait3A_133] : memref<80x128xi32, #tpu.memory_space<vmem>> -> memref<1x128xi32, #tpu.memory_space<vmem>>
    %dma_wait3A_135 = tpu.memref_squeeze %dma_wait3A_134 : memref<1x128xi32, #tpu.memory_space<vmem>> -> memref<128xi32, #tpu.memory_space<vmem>>
    %dma_wait3A_136 = arith.constant 0 : i32
    %dma_wait3A_137 = arith.constant 0 : i32
    %dma_wait3A_138 = tpu.memref_slice %arg2[%dma_wait3A_136, %dma_wait3A_137] : memref<10000x128xbf16, #tpu.memory_space<hbm>> -> memref<10000x128xbf16, #tpu.memory_space<hbm>>
    tpu.wait_indirect_dma semaphore(%arg15 : memref<!tpu.dma_semaphore, #tpu.memory_space<semaphore_mem>>) src(%dma_wait3A_138 : memref<10000x128xbf16, #tpu.memory_space<hbm>>) dst(%arg10 : memref<128x128xbf16, #tpu.memory_space<vmem>>)
    %dma_start3A_139 = arith.constant 79 : i32
    %dma_start3A_140 = arith.constant 0 : i32
    %dma_start3A_141 = tpu.memref_slice %arg9[%dma_start3A_139, %dma_start3A_140] : memref<80x128xi32, #tpu.memory_space<vmem>> -> memref<1x128xi32, #tpu.memory_space<vmem>>
    %dma_start3A_142 = tpu.memref_squeeze %dma_start3A_141 : memref<1x128xi32, #tpu.memory_space<vmem>> -> memref<128xi32, #tpu.memory_space<vmem>>
    %dma_start3A_143 = arith.constant 0 : i32
    %dma_start3A_144 = arith.constant 0 : i32
    %dma_start3A_145 = tpu.memref_slice %arg13[%dma_start3A_143, %dma_start3A_144] : memref<10240x128xbf16, #tpu.memory_space<vmem_shared>> -> memref<10240x128xbf16, #tpu.memory_space<vmem_shared>>
    tpu.enqueue_indirect_dma source(%arg10 : memref<128x128xbf16, #tpu.memory_space<vmem>>) target(%dma_start3A_145 : memref<10240x128xbf16, #tpu.memory_space<vmem_shared>>) offsets(%dma_start3A_142 : memref<128xi32, #tpu.memory_space<vmem>>) semaphore(%arg17 : memref<!tpu.dma_semaphore, #tpu.memory_space<semaphore_mem>>) {add = true}
    %dma_start3A_146 = arith.constant 79 : i32
    %dma_start3A_147 = arith.constant 0 : i32
    %dma_start3A_148 = tpu.memref_slice %arg9[%dma_start3A_146, %dma_start3A_147] : memref<80x128xi32, #tpu.memory_space<vmem>> -> memref<1x128xi32, #tpu.memory_space<vmem>>
    %dma_start3A_149 = tpu.memref_squeeze %dma_start3A_148 : memref<1x128xi32, #tpu.memory_space<vmem>> -> memref<128xi32, #tpu.memory_space<vmem>>
    %dma_start3A_150 = arith.constant 0 : i32
    %dma_start3A_151 = tpu.memref_slice %arg14[%dma_start3A_150] : memref<10240xf32, #tpu.memory_space<vmem_shared>> -> memref<10240xf32, #tpu.memory_space<vmem_shared>>
    tpu.enqueue_indirect_dma source(%arg12 : memref<128xf32, #tpu.memory_space<vmem>>) target(%dma_start3A_151 : memref<10240xf32, #tpu.memory_space<vmem_shared>>) offsets(%dma_start3A_149 : memref<128xi32, #tpu.memory_space<vmem>>) semaphore(%arg17 : memref<!tpu.dma_semaphore, #tpu.memory_space<semaphore_mem>>) {add = true}
    %dma_wait3A_152 = arith.constant 78 : i32
    %dma_wait3A_153 = arith.constant 0 : i32
    %dma_wait3A_154 = tpu.memref_slice %arg9[%dma_wait3A_152, %dma_wait3A_153] : memref<80x128xi32, #tpu.memory_space<vmem>> -> memref<1x128xi32, #tpu.memory_space<vmem>>
    %dma_wait3A_155 = tpu.memref_squeeze %dma_wait3A_154 : memref<1x128xi32, #tpu.memory_space<vmem>> -> memref<128xi32, #tpu.memory_space<vmem>>
    %dma_wait3A_156 = arith.constant 0 : i32
    %dma_wait3A_157 = arith.constant 0 : i32
    %dma_wait3A_158 = tpu.memref_slice %arg13[%dma_wait3A_156, %dma_wait3A_157] : memref<10240x128xbf16, #tpu.memory_space<vmem_shared>> -> memref<10240x128xbf16, #tpu.memory_space<vmem_shared>>
    tpu.wait_indirect_dma semaphore(%arg18 : memref<!tpu.dma_semaphore, #tpu.memory_space<semaphore_mem>>) src(%arg11 : memref<128x128xbf16, #tpu.memory_space<vmem>>) dst(%dma_wait3A_158 : memref<10240x128xbf16, #tpu.memory_space<vmem_shared>>)
    %dma_wait3A_159 = arith.constant 78 : i32
    %dma_wait3A_160 = arith.constant 0 : i32
    %dma_wait3A_161 = tpu.memref_slice %arg9[%dma_wait3A_159, %dma_wait3A_160] : memref<80x128xi32, #tpu.memory_space<vmem>> -> memref<1x128xi32, #tpu.memory_space<vmem>>
    %dma_wait3A_162 = tpu.memref_squeeze %dma_wait3A_161 : memref<1x128xi32, #tpu.memory_space<vmem>> -> memref<128xi32, #tpu.memory_space<vmem>>
    %dma_wait3A_163 = arith.constant 0 : i32
    %dma_wait3A_164 = tpu.memref_slice %arg14[%dma_wait3A_163] : memref<10240xf32, #tpu.memory_space<vmem_shared>> -> memref<10240xf32, #tpu.memory_space<vmem_shared>>
    tpu.wait_indirect_dma semaphore(%arg18 : memref<!tpu.dma_semaphore, #tpu.memory_space<semaphore_mem>>) src(%arg12 : memref<128xf32, #tpu.memory_space<vmem>>) dst(%dma_wait3A_164 : memref<10240xf32, #tpu.memory_space<vmem_shared>>)
    %dma_wait3A_165 = arith.constant 79 : i32
    %dma_wait3A_166 = arith.constant 0 : i32
    %dma_wait3A_167 = tpu.memref_slice %arg9[%dma_wait3A_165, %dma_wait3A_166] : memref<80x128xi32, #tpu.memory_space<vmem>> -> memref<1x128xi32, #tpu.memory_space<vmem>>
    %dma_wait3A_168 = tpu.memref_squeeze %dma_wait3A_167 : memref<1x128xi32, #tpu.memory_space<vmem>> -> memref<128xi32, #tpu.memory_space<vmem>>
    %dma_wait3A_169 = arith.constant 0 : i32
    %dma_wait3A_170 = arith.constant 0 : i32
    %dma_wait3A_171 = tpu.memref_slice %arg13[%dma_wait3A_169, %dma_wait3A_170] : memref<10240x128xbf16, #tpu.memory_space<vmem_shared>> -> memref<10240x128xbf16, #tpu.memory_space<vmem_shared>>
    tpu.wait_indirect_dma semaphore(%arg17 : memref<!tpu.dma_semaphore, #tpu.memory_space<semaphore_mem>>) src(%arg10 : memref<128x128xbf16, #tpu.memory_space<vmem>>) dst(%dma_wait3A_171 : memref<10240x128xbf16, #tpu.memory_space<vmem_shared>>)
    %dma_wait3A_172 = arith.constant 79 : i32
    %dma_wait3A_173 = arith.constant 0 : i32
    %dma_wait3A_174 = tpu.memref_slice %arg9[%dma_wait3A_172, %dma_wait3A_173] : memref<80x128xi32, #tpu.memory_space<vmem>> -> memref<1x128xi32, #tpu.memory_space<vmem>>
    %dma_wait3A_175 = tpu.memref_squeeze %dma_wait3A_174 : memref<1x128xi32, #tpu.memory_space<vmem>> -> memref<128xi32, #tpu.memory_space<vmem>>
    %dma_wait3A_176 = arith.constant 0 : i32
    %dma_wait3A_177 = tpu.memref_slice %arg14[%dma_wait3A_176] : memref<10240xf32, #tpu.memory_space<vmem_shared>> -> memref<10240xf32, #tpu.memory_space<vmem_shared>>
    tpu.wait_indirect_dma semaphore(%arg17 : memref<!tpu.dma_semaphore, #tpu.memory_space<semaphore_mem>>) src(%arg12 : memref<128xf32, #tpu.memory_space<vmem>>) dst(%dma_wait3A_177 : memref<10240xf32, #tpu.memory_space<vmem_shared>>)
    %barrier3A_178 = arith.constant 0 : index
    tpu.barrier barrier_id(%barrier3A_178)
    %mul3A_179 = arith.constant 10240 : i32
    %mul3A_180 = arith.muli %arg0, %mul3A_179 : i32
    %add3A_181 = arith.addi %mul3A_180, %mul3A_0 : i32
    "tpu.region"() ({
      %run_scoped3A = tpu.sem_alloc : memref<!tpu.dma_semaphore, #tpu.memory_space<semaphore_mem>>
      %dma_start3A_182 = arith.constant 0 : i32
      %dma_start3A_183 = tpu.memref_slice %arg6[%add3A_181, %dma_start3A_182] : memref<20480x128xbf16, #tpu.memory_space<hbm>> -> memref<640x128xbf16, #tpu.memory_space<hbm>>
      %dma_start3A_184 = arith.constant 0 : i32
      %dma_start3A_185 = tpu.memref_slice %arg13[%mul3A_0, %dma_start3A_184] : memref<10240x128xbf16, #tpu.memory_space<vmem_shared>> -> memref<640x128xbf16, #tpu.memory_space<vmem_shared>>
      tpu.enqueue_dma source(%dma_start3A_185 : memref<640x128xbf16, #tpu.memory_space<vmem_shared>>) target(%dma_start3A_183 : memref<640x128xbf16, #tpu.memory_space<hbm>>) target_semaphore(%run_scoped3A : memref<!tpu.dma_semaphore, #tpu.memory_space<semaphore_mem>>)
      %dma_wait3A_186 = arith.constant 0 : i32
      %dma_wait3A_187 = tpu.memref_slice %arg6[%add3A_181, %dma_wait3A_186] : memref<20480x128xbf16, #tpu.memory_space<hbm>> -> memref<640x128xbf16, #tpu.memory_space<hbm>>
      %dma_wait3A_188 = arith.constant 0 : i32
      %dma_wait3A_189 = tpu.memref_slice %arg13[%mul3A_0, %dma_wait3A_188] : memref<10240x128xbf16, #tpu.memory_space<vmem_shared>> -> memref<640x128xbf16, #tpu.memory_space<vmem_shared>>
      tpu.wait_dma2 semaphore(%run_scoped3A : memref<!tpu.dma_semaphore, #tpu.memory_space<semaphore_mem>>) src(%dma_wait3A_189 : memref<640x128xbf16, #tpu.memory_space<vmem_shared>>) dst(%dma_wait3A_187 : memref<640x128xbf16, #tpu.memory_space<hbm>>)
      tpu.yield
    }) : () -> ()
    "tpu.region"() ({
      %run_scoped3A = tpu.sem_alloc : memref<!tpu.dma_semaphore, #tpu.memory_space<semaphore_mem>>
      %dma_start3A_182 = tpu.memref_slice %arg7[%add3A_181] : memref<20480xf32, #tpu.memory_space<hbm>> -> memref<640xf32, #tpu.memory_space<hbm>>
      %dma_start3A_183 = tpu.memref_slice %arg14[%mul3A_0] : memref<10240xf32, #tpu.memory_space<vmem_shared>> -> memref<640xf32, #tpu.memory_space<vmem_shared>>
      tpu.enqueue_dma source(%dma_start3A_183 : memref<640xf32, #tpu.memory_space<vmem_shared>>) target(%dma_start3A_182 : memref<640xf32, #tpu.memory_space<hbm>>) target_semaphore(%run_scoped3A : memref<!tpu.dma_semaphore, #tpu.memory_space<semaphore_mem>>)
      %dma_wait3A_184 = tpu.memref_slice %arg7[%add3A_181] : memref<20480xf32, #tpu.memory_space<hbm>> -> memref<640xf32, #tpu.memory_space<hbm>>
      %dma_wait3A_185 = tpu.memref_slice %arg14[%mul3A_0] : memref<10240xf32, #tpu.memory_space<vmem_shared>> -> memref<640xf32, #tpu.memory_space<vmem_shared>>
      tpu.wait_dma2 semaphore(%run_scoped3A : memref<!tpu.dma_semaphore, #tpu.memory_space<semaphore_mem>>) src(%dma_wait3A_185 : memref<640xf32, #tpu.memory_space<vmem_shared>>) dst(%dma_wait3A_184 : memref<640xf32, #tpu.memory_space<hbm>>)
      tpu.yield
    }) : () -> ()
    return
  }
}

#map = affine_map<(d0, d1) -> (0, 0)>
#map1 = affine_map<(d0, d1) -> (0)>
module attributes {stable_mosaic.version = 14 : i64} {
  func.func @body(%arg0: i32, %arg1: i32, %arg2: memref<10240x128xbf16, #tpu.memory_space<hbm>>, %arg3: memref<5120x128xi32, #tpu.memory_space<hbm>>, %arg4: memref<640x128xbf16, #tpu.memory_space<hbm>>, %arg5: memref<640xf32, #tpu.memory_space<hbm>>, %arg6: memref<20480x128xbf16, #tpu.memory_space<hbm>>, %arg7: memref<80x128xi32, #tpu.memory_space<vmem>>, %arg8: memref<80x128xi32, #tpu.memory_space<vmem>>, %arg9: memref<128x128xbf16, #tpu.memory_space<vmem>>, %arg10: memref<128x128xbf16, #tpu.memory_space<vmem>>, %arg11: memref<128xf32, #tpu.memory_space<vmem>>, %arg12: memref<10240x128xbf16, #tpu.memory_space<vmem_shared>>, %arg13: memref<10240xf32, #tpu.memory_space<vmem_shared>>, %arg14: memref<!tpu.dma_semaphore, #tpu.memory_space<semaphore_mem>>, %arg15: memref<!tpu.dma_semaphore, #tpu.memory_space<semaphore_mem>>, %arg16: memref<!tpu.dma_semaphore, #tpu.memory_space<semaphore_mem>>, %arg17: memref<!tpu.dma_semaphore, #tpu.memory_space<semaphore_mem>>) attributes {dimension_semantics = [#tpu.dimension_semantics<core_parallel>, #tpu.dimension_semantics<subcore_parallel>], iteration_bounds = array<i64: 2, 16>, scalar_prefetch = 0 : i64, scratch_operands = 11 : i64, tpu.core_type = #tpu.core_type<sc_vector_subcore>, window_params = [{transform_indices = #map}, {transform_indices = #map}, {transform_indices = #map}, {transform_indices = #map1}, {transform_indices = #map}]} {
    %mul3A = arith.constant 640 : i32
    %mul3A_0 = arith.muli %arg1, %mul3A : i32
    %mul3A_1 = arith.constant 16 : i32
    %mul3A_2 = arith.muli %arg0, %mul3A_1 : i32
    %add3A = arith.addi %mul3A_2, %arg1 : i32
    "tpu.region"() ({
      %run_scoped3A = tpu.sem_alloc : memref<!tpu.dma_semaphore, #tpu.memory_space<semaphore_mem>>
      %dma_start3A_100 = arith.constant 0 : i32
      %dma_start3A_101 = tpu.memref_slice %arg12[%mul3A_0, %dma_start3A_100] : memref<10240x128xbf16, #tpu.memory_space<vmem_shared>> -> memref<640x128xbf16, #tpu.memory_space<vmem_shared>>
      tpu.enqueue_dma source(%arg4 : memref<640x128xbf16, #tpu.memory_space<hbm>>) target(%dma_start3A_101 : memref<640x128xbf16, #tpu.memory_space<vmem_shared>>) target_semaphore(%run_scoped3A : memref<!tpu.dma_semaphore, #tpu.memory_space<semaphore_mem>>)
      %dma_wait3A_102 = arith.constant 0 : i32
      %dma_wait3A_103 = tpu.memref_slice %arg12[%mul3A_0, %dma_wait3A_102] : memref<10240x128xbf16, #tpu.memory_space<vmem_shared>> -> memref<640x128xbf16, #tpu.memory_space<vmem_shared>>
      tpu.wait_dma2 semaphore(%run_scoped3A : memref<!tpu.dma_semaphore, #tpu.memory_space<semaphore_mem>>) src(%arg4 : memref<640x128xbf16, #tpu.memory_space<hbm>>) dst(%dma_wait3A_103 : memref<640x128xbf16, #tpu.memory_space<vmem_shared>>)
      tpu.yield
    }) : () -> ()
    %mul3A_3 = arith.constant 80 : i32
    %mul3A_4 = arith.muli %add3A, %mul3A_3 : i32
    "tpu.region"() ({
      %run_scoped3A = tpu.sem_alloc : memref<!tpu.dma_semaphore, #tpu.memory_space<semaphore_mem>>
      %dma_start3A_100 = arith.constant 0 : i32
      %dma_start3A_101 = tpu.memref_slice %arg3[%mul3A_4, %dma_start3A_100] : memref<5120x128xi32, #tpu.memory_space<hbm>> -> memref<80x128xi32, #tpu.memory_space<hbm>>
      %dma_start3A_102 = arith.constant 0 : i32
      %dma_start3A_103 = tpu.memref_slice %arg3[%mul3A_4, %dma_start3A_102] : memref<5120x128xi32, #tpu.memory_space<hbm>> -> memref<80x128xi32, #tpu.memory_space<hbm>>
      tpu.enqueue_dma source(%dma_start3A_103 : memref<80x128xi32, #tpu.memory_space<hbm>>) target(%arg7 : memref<80x128xi32, #tpu.memory_space<vmem>>) target_semaphore(%run_scoped3A : memref<!tpu.dma_semaphore, #tpu.memory_space<semaphore_mem>>)
      %dma_wait3A_104 = arith.constant 0 : i32
      %dma_wait3A_105 = tpu.memref_slice %arg3[%mul3A_4, %dma_wait3A_104] : memref<5120x128xi32, #tpu.memory_space<hbm>> -> memref<80x128xi32, #tpu.memory_space<hbm>>
      %dma_wait3A_106 = arith.constant 0 : i32
      %dma_wait3A_107 = tpu.memref_slice %arg3[%mul3A_4, %dma_wait3A_106] : memref<5120x128xi32, #tpu.memory_space<hbm>> -> memref<80x128xi32, #tpu.memory_space<hbm>>
      tpu.wait_dma2 semaphore(%run_scoped3A : memref<!tpu.dma_semaphore, #tpu.memory_space<semaphore_mem>>) src(%dma_wait3A_107 : memref<80x128xi32, #tpu.memory_space<hbm>>) dst(%arg7 : memref<80x128xi32, #tpu.memory_space<vmem>>)
      tpu.yield
    }) : () -> ()
    %mul3A_5 = arith.constant 80 : i32
    %mul3A_6 = arith.muli %add3A, %mul3A_5 : i32
    %add3A_7 = arith.constant 2560 : i32
    %add3A_8 = arith.addi %add3A_7, %mul3A_6 : i32
    "tpu.region"() ({
      %run_scoped3A = tpu.sem_alloc : memref<!tpu.dma_semaphore, #tpu.memory_space<semaphore_mem>>
      %dma_start3A_100 = arith.constant 0 : i32
      %dma_start3A_101 = tpu.memref_slice %arg3[%add3A_8, %dma_start3A_100] : memref<5120x128xi32, #tpu.memory_space<hbm>> -> memref<80x128xi32, #tpu.memory_space<hbm>>
      %dma_start3A_102 = arith.constant 0 : i32
      %dma_start3A_103 = tpu.memref_slice %arg3[%add3A_8, %dma_start3A_102] : memref<5120x128xi32, #tpu.memory_space<hbm>> -> memref<80x128xi32, #tpu.memory_space<hbm>>
      tpu.enqueue_dma source(%dma_start3A_103 : memref<80x128xi32, #tpu.memory_space<hbm>>) target(%arg8 : memref<80x128xi32, #tpu.memory_space<vmem>>) target_semaphore(%run_scoped3A : memref<!tpu.dma_semaphore, #tpu.memory_space<semaphore_mem>>)
      %dma_wait3A_104 = arith.constant 0 : i32
      %dma_wait3A_105 = tpu.memref_slice %arg3[%add3A_8, %dma_wait3A_104] : memref<5120x128xi32, #tpu.memory_space<hbm>> -> memref<80x128xi32, #tpu.memory_space<hbm>>
      %dma_wait3A_106 = arith.constant 0 : i32
      %dma_wait3A_107 = tpu.memref_slice %arg3[%add3A_8, %dma_wait3A_106] : memref<5120x128xi32, #tpu.memory_space<hbm>> -> memref<80x128xi32, #tpu.memory_space<hbm>>
      tpu.wait_dma2 semaphore(%run_scoped3A : memref<!tpu.dma_semaphore, #tpu.memory_space<semaphore_mem>>) src(%dma_wait3A_107 : memref<80x128xi32, #tpu.memory_space<hbm>>) dst(%arg8 : memref<80x128xi32, #tpu.memory_space<vmem>>)
      tpu.yield
    }) : () -> ()
    %barrier3A = arith.constant 0 : index
    tpu.barrier barrier_id(%barrier3A)
    %dma_start3A = arith.constant 0 : i32
    %dma_start3A_9 = arith.constant 0 : i32
    %dma_start3A_10 = tpu.memref_slice %arg7[%dma_start3A, %dma_start3A_9] : memref<80x128xi32, #tpu.memory_space<vmem>> -> memref<1x128xi32, #tpu.memory_space<vmem>>
    %dma_start3A_11 = tpu.memref_squeeze %dma_start3A_10 : memref<1x128xi32, #tpu.memory_space<vmem>> -> memref<128xi32, #tpu.memory_space<vmem>>
    %dma_start3A_12 = arith.constant 0 : i32
    %dma_start3A_13 = arith.constant 0 : i32
    %dma_start3A_14 = tpu.memref_slice %arg2[%dma_start3A_12, %dma_start3A_13] : memref<10240x128xbf16, #tpu.memory_space<hbm>> -> memref<10240x128xbf16, #tpu.memory_space<hbm>>
    tpu.enqueue_indirect_dma source(%dma_start3A_14 : memref<10240x128xbf16, #tpu.memory_space<hbm>>) target(%arg9 : memref<128x128xbf16, #tpu.memory_space<vmem>>) offsets(%dma_start3A_11 : memref<128xi32, #tpu.memory_space<vmem>>) semaphore(%arg14 : memref<!tpu.dma_semaphore, #tpu.memory_space<semaphore_mem>>)
    %dma_start3A_15 = arith.constant 1 : i32
    %dma_start3A_16 = arith.constant 0 : i32
    %dma_start3A_17 = tpu.memref_slice %arg7[%dma_start3A_15, %dma_start3A_16] : memref<80x128xi32, #tpu.memory_space<vmem>> -> memref<1x128xi32, #tpu.memory_space<vmem>>
    %dma_start3A_18 = tpu.memref_squeeze %dma_start3A_17 : memref<1x128xi32, #tpu.memory_space<vmem>> -> memref<128xi32, #tpu.memory_space<vmem>>
    %dma_start3A_19 = arith.constant 0 : i32
    %dma_start3A_20 = arith.constant 0 : i32
    %dma_start3A_21 = tpu.memref_slice %arg2[%dma_start3A_19, %dma_start3A_20] : memref<10240x128xbf16, #tpu.memory_space<hbm>> -> memref<10240x128xbf16, #tpu.memory_space<hbm>>
    tpu.enqueue_indirect_dma source(%dma_start3A_21 : memref<10240x128xbf16, #tpu.memory_space<hbm>>) target(%arg10 : memref<128x128xbf16, #tpu.memory_space<vmem>>) offsets(%dma_start3A_18 : memref<128xi32, #tpu.memory_space<vmem>>) semaphore(%arg15 : memref<!tpu.dma_semaphore, #tpu.memory_space<semaphore_mem>>)
    %scan3A = arith.constant 0 : i32
    %scan3A_22 = arith.constant 0 : i32
    %scan3A_23 = arith.constant 39 : i32
    %scan3A_24 = arith.addi %scan3A_22, %scan3A_23 : i32
    %scan3A_25 = arith.constant 1 : i32
    scf.for %scan3A_100 = %scan3A_22 to %scan3A_24 step %scan3A_25  : i32 {
      %mul3A_101 = arith.constant 2 : i32
      %mul3A_102 = arith.muli %mul3A_101, %scan3A_100 : i32
      %dma_wait3A_103 = arith.constant 0 : i32
      %dma_wait3A_104 = tpu.memref_slice %arg7[%mul3A_102, %dma_wait3A_103] : memref<80x128xi32, #tpu.memory_space<vmem>> -> memref<1x128xi32, #tpu.memory_space<vmem>>
      %dma_wait3A_105 = tpu.memref_squeeze %dma_wait3A_104 : memref<1x128xi32, #tpu.memory_space<vmem>> -> memref<128xi32, #tpu.memory_space<vmem>>
      %dma_wait3A_106 = arith.constant 0 : i32
      %dma_wait3A_107 = arith.constant 0 : i32
      %dma_wait3A_108 = tpu.memref_slice %arg2[%dma_wait3A_106, %dma_wait3A_107] : memref<10240x128xbf16, #tpu.memory_space<hbm>> -> memref<10240x128xbf16, #tpu.memory_space<hbm>>
      tpu.wait_indirect_dma semaphore(%arg14 : memref<!tpu.dma_semaphore, #tpu.memory_space<semaphore_mem>>) src(%dma_wait3A_108 : memref<10240x128xbf16, #tpu.memory_space<hbm>>) dst(%arg9 : memref<128x128xbf16, #tpu.memory_space<vmem>>)
      %dma_start3A_109 = arith.constant 0 : i32
      %dma_start3A_110 = tpu.memref_slice %arg8[%mul3A_102, %dma_start3A_109] : memref<80x128xi32, #tpu.memory_space<vmem>> -> memref<1x128xi32, #tpu.memory_space<vmem>>
      %dma_start3A_111 = tpu.memref_squeeze %dma_start3A_110 : memref<1x128xi32, #tpu.memory_space<vmem>> -> memref<128xi32, #tpu.memory_space<vmem>>
      %dma_start3A_112 = arith.constant 0 : i32
      %dma_start3A_113 = arith.constant 0 : i32
      %dma_start3A_114 = tpu.memref_slice %arg12[%dma_start3A_112, %dma_start3A_113] : memref<10240x128xbf16, #tpu.memory_space<vmem_shared>> -> memref<10240x128xbf16, #tpu.memory_space<vmem_shared>>
      tpu.enqueue_indirect_dma source(%arg9 : memref<128x128xbf16, #tpu.memory_space<vmem>>) target(%dma_start3A_114 : memref<10240x128xbf16, #tpu.memory_space<vmem_shared>>) offsets(%dma_start3A_111 : memref<128xi32, #tpu.memory_space<vmem>>) semaphore(%arg16 : memref<!tpu.dma_semaphore, #tpu.memory_space<semaphore_mem>>) {add = true}
      %add3A_115 = arith.constant 1 : i32
      %add3A_116 = arith.addi %mul3A_102, %add3A_115 : i32
      %dma_wait3A_117 = arith.constant 0 : i32
      %dma_wait3A_118 = tpu.memref_slice %arg7[%add3A_116, %dma_wait3A_117] : memref<80x128xi32, #tpu.memory_space<vmem>> -> memref<1x128xi32, #tpu.memory_space<vmem>>
      %dma_wait3A_119 = tpu.memref_squeeze %dma_wait3A_118 : memref<1x128xi32, #tpu.memory_space<vmem>> -> memref<128xi32, #tpu.memory_space<vmem>>
      %dma_wait3A_120 = arith.constant 0 : i32
      %dma_wait3A_121 = arith.constant 0 : i32
      %dma_wait3A_122 = tpu.memref_slice %arg2[%dma_wait3A_120, %dma_wait3A_121] : memref<10240x128xbf16, #tpu.memory_space<hbm>> -> memref<10240x128xbf16, #tpu.memory_space<hbm>>
      tpu.wait_indirect_dma semaphore(%arg15 : memref<!tpu.dma_semaphore, #tpu.memory_space<semaphore_mem>>) src(%dma_wait3A_122 : memref<10240x128xbf16, #tpu.memory_space<hbm>>) dst(%arg10 : memref<128x128xbf16, #tpu.memory_space<vmem>>)
      %add3A_123 = arith.constant 1 : i32
      %add3A_124 = arith.addi %mul3A_102, %add3A_123 : i32
      %dma_start3A_125 = arith.constant 0 : i32
      %dma_start3A_126 = tpu.memref_slice %arg8[%add3A_124, %dma_start3A_125] : memref<80x128xi32, #tpu.memory_space<vmem>> -> memref<1x128xi32, #tpu.memory_space<vmem>>
      %dma_start3A_127 = tpu.memref_squeeze %dma_start3A_126 : memref<1x128xi32, #tpu.memory_space<vmem>> -> memref<128xi32, #tpu.memory_space<vmem>>
      %dma_start3A_128 = arith.constant 0 : i32
      %dma_start3A_129 = arith.constant 0 : i32
      %dma_start3A_130 = tpu.memref_slice %arg12[%dma_start3A_128, %dma_start3A_129] : memref<10240x128xbf16, #tpu.memory_space<vmem_shared>> -> memref<10240x128xbf16, #tpu.memory_space<vmem_shared>>
      tpu.enqueue_indirect_dma source(%arg10 : memref<128x128xbf16, #tpu.memory_space<vmem>>) target(%dma_start3A_130 : memref<10240x128xbf16, #tpu.memory_space<vmem_shared>>) offsets(%dma_start3A_127 : memref<128xi32, #tpu.memory_space<vmem>>) semaphore(%arg17 : memref<!tpu.dma_semaphore, #tpu.memory_space<semaphore_mem>>) {add = true}
      %dma_wait3A_131 = arith.constant 0 : i32
      %dma_wait3A_132 = tpu.memref_slice %arg8[%mul3A_102, %dma_wait3A_131] : memref<80x128xi32, #tpu.memory_space<vmem>> -> memref<1x128xi32, #tpu.memory_space<vmem>>
      %dma_wait3A_133 = tpu.memref_squeeze %dma_wait3A_132 : memref<1x128xi32, #tpu.memory_space<vmem>> -> memref<128xi32, #tpu.memory_space<vmem>>
      %dma_wait3A_134 = arith.constant 0 : i32
      %dma_wait3A_135 = arith.constant 0 : i32
      %dma_wait3A_136 = tpu.memref_slice %arg12[%dma_wait3A_134, %dma_wait3A_135] : memref<10240x128xbf16, #tpu.memory_space<vmem_shared>> -> memref<10240x128xbf16, #tpu.memory_space<vmem_shared>>
      tpu.wait_indirect_dma semaphore(%arg16 : memref<!tpu.dma_semaphore, #tpu.memory_space<semaphore_mem>>) src(%arg9 : memref<128x128xbf16, #tpu.memory_space<vmem>>) dst(%dma_wait3A_136 : memref<10240x128xbf16, #tpu.memory_space<vmem_shared>>)
      %add3A_137 = arith.constant 2 : i32
      %add3A_138 = arith.addi %mul3A_102, %add3A_137 : i32
      %dma_start3A_139 = arith.constant 0 : i32
      %dma_start3A_140 = tpu.memref_slice %arg7[%add3A_138, %dma_start3A_139] : memref<80x128xi32, #tpu.memory_space<vmem>> -> memref<1x128xi32, #tpu.memory_space<vmem>>
      %dma_start3A_141 = tpu.memref_squeeze %dma_start3A_140 : memref<1x128xi32, #tpu.memory_space<vmem>> -> memref<128xi32, #tpu.memory_space<vmem>>
      %dma_start3A_142 = arith.constant 0 : i32
      %dma_start3A_143 = arith.constant 0 : i32
      %dma_start3A_144 = tpu.memref_slice %arg2[%dma_start3A_142, %dma_start3A_143] : memref<10240x128xbf16, #tpu.memory_space<hbm>> -> memref<10240x128xbf16, #tpu.memory_space<hbm>>
      tpu.enqueue_indirect_dma source(%dma_start3A_144 : memref<10240x128xbf16, #tpu.memory_space<hbm>>) target(%arg9 : memref<128x128xbf16, #tpu.memory_space<vmem>>) offsets(%dma_start3A_141 : memref<128xi32, #tpu.memory_space<vmem>>) semaphore(%arg14 : memref<!tpu.dma_semaphore, #tpu.memory_space<semaphore_mem>>)
      %add3A_145 = arith.constant 1 : i32
      %add3A_146 = arith.addi %mul3A_102, %add3A_145 : i32
      %dma_wait3A_147 = arith.constant 0 : i32
      %dma_wait3A_148 = tpu.memref_slice %arg8[%add3A_146, %dma_wait3A_147] : memref<80x128xi32, #tpu.memory_space<vmem>> -> memref<1x128xi32, #tpu.memory_space<vmem>>
      %dma_wait3A_149 = tpu.memref_squeeze %dma_wait3A_148 : memref<1x128xi32, #tpu.memory_space<vmem>> -> memref<128xi32, #tpu.memory_space<vmem>>
      %dma_wait3A_150 = arith.constant 0 : i32
      %dma_wait3A_151 = arith.constant 0 : i32
      %dma_wait3A_152 = tpu.memref_slice %arg12[%dma_wait3A_150, %dma_wait3A_151] : memref<10240x128xbf16, #tpu.memory_space<vmem_shared>> -> memref<10240x128xbf16, #tpu.memory_space<vmem_shared>>
      tpu.wait_indirect_dma semaphore(%arg17 : memref<!tpu.dma_semaphore, #tpu.memory_space<semaphore_mem>>) src(%arg10 : memref<128x128xbf16, #tpu.memory_space<vmem>>) dst(%dma_wait3A_152 : memref<10240x128xbf16, #tpu.memory_space<vmem_shared>>)
      %add3A_153 = arith.constant 3 : i32
      %add3A_154 = arith.addi %mul3A_102, %add3A_153 : i32
      %dma_start3A_155 = arith.constant 0 : i32
      %dma_start3A_156 = tpu.memref_slice %arg7[%add3A_154, %dma_start3A_155] : memref<80x128xi32, #tpu.memory_space<vmem>> -> memref<1x128xi32, #tpu.memory_space<vmem>>
      %dma_start3A_157 = tpu.memref_squeeze %dma_start3A_156 : memref<1x128xi32, #tpu.memory_space<vmem>> -> memref<128xi32, #tpu.memory_space<vmem>>
      %dma_start3A_158 = arith.constant 0 : i32
      %dma_start3A_159 = arith.constant 0 : i32
      %dma_start3A_160 = tpu.memref_slice %arg2[%dma_start3A_158, %dma_start3A_159] : memref<10240x128xbf16, #tpu.memory_space<hbm>> -> memref<10240x128xbf16, #tpu.memory_space<hbm>>
      tpu.enqueue_indirect_dma source(%dma_start3A_160 : memref<10240x128xbf16, #tpu.memory_space<hbm>>) target(%arg10 : memref<128x128xbf16, #tpu.memory_space<vmem>>) offsets(%dma_start3A_157 : memref<128xi32, #tpu.memory_space<vmem>>) semaphore(%arg15 : memref<!tpu.dma_semaphore, #tpu.memory_space<semaphore_mem>>)
    }
    %scan3A_26 = arith.constant 39 : i32
    %dma_wait3A = arith.constant 77 : i32
    %dma_wait3A_27 = arith.constant 0 : i32
    %dma_wait3A_28 = tpu.memref_slice %arg7[%dma_wait3A, %dma_wait3A_27] : memref<80x128xi32, #tpu.memory_space<vmem>> -> memref<1x128xi32, #tpu.memory_space<vmem>>
    %dma_wait3A_29 = tpu.memref_squeeze %dma_wait3A_28 : memref<1x128xi32, #tpu.memory_space<vmem>> -> memref<128xi32, #tpu.memory_space<vmem>>
    %dma_wait3A_30 = arith.constant 0 : i32
    %dma_wait3A_31 = arith.constant 0 : i32
    %dma_wait3A_32 = tpu.memref_slice %arg2[%dma_wait3A_30, %dma_wait3A_31] : memref<10240x128xbf16, #tpu.memory_space<hbm>> -> memref<10240x128xbf16, #tpu.memory_space<hbm>>
    tpu.wait_indirect_dma semaphore(%arg14 : memref<!tpu.dma_semaphore, #tpu.memory_space<semaphore_mem>>) src(%dma_wait3A_32 : memref<10240x128xbf16, #tpu.memory_space<hbm>>) dst(%arg9 : memref<128x128xbf16, #tpu.memory_space<vmem>>)
    %dma_start3A_33 = arith.constant 77 : i32
    %dma_start3A_34 = arith.constant 0 : i32
    %dma_start3A_35 = tpu.memref_slice %arg8[%dma_start3A_33, %dma_start3A_34] : memref<80x128xi32, #tpu.memory_space<vmem>> -> memref<1x128xi32, #tpu.memory_space<vmem>>
    %dma_start3A_36 = tpu.memref_squeeze %dma_start3A_35 : memref<1x128xi32, #tpu.memory_space<vmem>> -> memref<128xi32, #tpu.memory_space<vmem>>
    %dma_start3A_37 = arith.constant 0 : i32
    %dma_start3A_38 = arith.constant 0 : i32
    %dma_start3A_39 = tpu.memref_slice %arg12[%dma_start3A_37, %dma_start3A_38] : memref<10240x128xbf16, #tpu.memory_space<vmem_shared>> -> memref<10240x128xbf16, #tpu.memory_space<vmem_shared>>
    tpu.enqueue_indirect_dma source(%arg9 : memref<128x128xbf16, #tpu.memory_space<vmem>>) target(%dma_start3A_39 : memref<10240x128xbf16, #tpu.memory_space<vmem_shared>>) offsets(%dma_start3A_36 : memref<128xi32, #tpu.memory_space<vmem>>) semaphore(%arg16 : memref<!tpu.dma_semaphore, #tpu.memory_space<semaphore_mem>>) {add = true}
    %dma_wait3A_40 = arith.constant 78 : i32
    %dma_wait3A_41 = arith.constant 0 : i32
    %dma_wait3A_42 = tpu.memref_slice %arg7[%dma_wait3A_40, %dma_wait3A_41] : memref<80x128xi32, #tpu.memory_space<vmem>> -> memref<1x128xi32, #tpu.memory_space<vmem>>
    %dma_wait3A_43 = tpu.memref_squeeze %dma_wait3A_42 : memref<1x128xi32, #tpu.memory_space<vmem>> -> memref<128xi32, #tpu.memory_space<vmem>>
    %dma_wait3A_44 = arith.constant 0 : i32
    %dma_wait3A_45 = arith.constant 0 : i32
    %dma_wait3A_46 = tpu.memref_slice %arg2[%dma_wait3A_44, %dma_wait3A_45] : memref<10240x128xbf16, #tpu.memory_space<hbm>> -> memref<10240x128xbf16, #tpu.memory_space<hbm>>
    tpu.wait_indirect_dma semaphore(%arg15 : memref<!tpu.dma_semaphore, #tpu.memory_space<semaphore_mem>>) src(%dma_wait3A_46 : memref<10240x128xbf16, #tpu.memory_space<hbm>>) dst(%arg10 : memref<128x128xbf16, #tpu.memory_space<vmem>>)
    %dma_start3A_47 = arith.constant 78 : i32
    %dma_start3A_48 = arith.constant 0 : i32
    %dma_start3A_49 = tpu.memref_slice %arg8[%dma_start3A_47, %dma_start3A_48] : memref<80x128xi32, #tpu.memory_space<vmem>> -> memref<1x128xi32, #tpu.memory_space<vmem>>
    %dma_start3A_50 = tpu.memref_squeeze %dma_start3A_49 : memref<1x128xi32, #tpu.memory_space<vmem>> -> memref<128xi32, #tpu.memory_space<vmem>>
    %dma_start3A_51 = arith.constant 0 : i32
    %dma_start3A_52 = arith.constant 0 : i32
    %dma_start3A_53 = tpu.memref_slice %arg12[%dma_start3A_51, %dma_start3A_52] : memref<10240x128xbf16, #tpu.memory_space<vmem_shared>> -> memref<10240x128xbf16, #tpu.memory_space<vmem_shared>>
    tpu.enqueue_indirect_dma source(%arg10 : memref<128x128xbf16, #tpu.memory_space<vmem>>) target(%dma_start3A_53 : memref<10240x128xbf16, #tpu.memory_space<vmem_shared>>) offsets(%dma_start3A_50 : memref<128xi32, #tpu.memory_space<vmem>>) semaphore(%arg17 : memref<!tpu.dma_semaphore, #tpu.memory_space<semaphore_mem>>) {add = true}
    %dma_wait3A_54 = arith.constant 77 : i32
    %dma_wait3A_55 = arith.constant 0 : i32
    %dma_wait3A_56 = tpu.memref_slice %arg8[%dma_wait3A_54, %dma_wait3A_55] : memref<80x128xi32, #tpu.memory_space<vmem>> -> memref<1x128xi32, #tpu.memory_space<vmem>>
    %dma_wait3A_57 = tpu.memref_squeeze %dma_wait3A_56 : memref<1x128xi32, #tpu.memory_space<vmem>> -> memref<128xi32, #tpu.memory_space<vmem>>
    %dma_wait3A_58 = arith.constant 0 : i32
    %dma_wait3A_59 = arith.constant 0 : i32
    %dma_wait3A_60 = tpu.memref_slice %arg12[%dma_wait3A_58, %dma_wait3A_59] : memref<10240x128xbf16, #tpu.memory_space<vmem_shared>> -> memref<10240x128xbf16, #tpu.memory_space<vmem_shared>>
    tpu.wait_indirect_dma semaphore(%arg16 : memref<!tpu.dma_semaphore, #tpu.memory_space<semaphore_mem>>) src(%arg9 : memref<128x128xbf16, #tpu.memory_space<vmem>>) dst(%dma_wait3A_60 : memref<10240x128xbf16, #tpu.memory_space<vmem_shared>>)
    %dma_start3A_61 = arith.constant 79 : i32
    %dma_start3A_62 = arith.constant 0 : i32
    %dma_start3A_63 = tpu.memref_slice %arg7[%dma_start3A_61, %dma_start3A_62] : memref<80x128xi32, #tpu.memory_space<vmem>> -> memref<1x128xi32, #tpu.memory_space<vmem>>
    %dma_start3A_64 = tpu.memref_squeeze %dma_start3A_63 : memref<1x128xi32, #tpu.memory_space<vmem>> -> memref<128xi32, #tpu.memory_space<vmem>>
    %dma_start3A_65 = arith.constant 0 : i32
    %dma_start3A_66 = arith.constant 0 : i32
    %dma_start3A_67 = tpu.memref_slice %arg2[%dma_start3A_65, %dma_start3A_66] : memref<10240x128xbf16, #tpu.memory_space<hbm>> -> memref<10240x128xbf16, #tpu.memory_space<hbm>>
    tpu.enqueue_indirect_dma source(%dma_start3A_67 : memref<10240x128xbf16, #tpu.memory_space<hbm>>) target(%arg9 : memref<128x128xbf16, #tpu.memory_space<vmem>>) offsets(%dma_start3A_64 : memref<128xi32, #tpu.memory_space<vmem>>) semaphore(%arg14 : memref<!tpu.dma_semaphore, #tpu.memory_space<semaphore_mem>>)
    %dma_wait3A_68 = arith.constant 79 : i32
    %dma_wait3A_69 = arith.constant 0 : i32
    %dma_wait3A_70 = tpu.memref_slice %arg7[%dma_wait3A_68, %dma_wait3A_69] : memref<80x128xi32, #tpu.memory_space<vmem>> -> memref<1x128xi32, #tpu.memory_space<vmem>>
    %dma_wait3A_71 = tpu.memref_squeeze %dma_wait3A_70 : memref<1x128xi32, #tpu.memory_space<vmem>> -> memref<128xi32, #tpu.memory_space<vmem>>
    %dma_wait3A_72 = arith.constant 0 : i32
    %dma_wait3A_73 = arith.constant 0 : i32
    %dma_wait3A_74 = tpu.memref_slice %arg2[%dma_wait3A_72, %dma_wait3A_73] : memref<10240x128xbf16, #tpu.memory_space<hbm>> -> memref<10240x128xbf16, #tpu.memory_space<hbm>>
    tpu.wait_indirect_dma semaphore(%arg14 : memref<!tpu.dma_semaphore, #tpu.memory_space<semaphore_mem>>) src(%dma_wait3A_74 : memref<10240x128xbf16, #tpu.memory_space<hbm>>) dst(%arg9 : memref<128x128xbf16, #tpu.memory_space<vmem>>)
    %dma_start3A_75 = arith.constant 79 : i32
    %dma_start3A_76 = arith.constant 0 : i32
    %dma_start3A_77 = tpu.memref_slice %arg8[%dma_start3A_75, %dma_start3A_76] : memref<80x128xi32, #tpu.memory_space<vmem>> -> memref<1x128xi32, #tpu.memory_space<vmem>>
    %dma_start3A_78 = tpu.memref_squeeze %dma_start3A_77 : memref<1x128xi32, #tpu.memory_space<vmem>> -> memref<128xi32, #tpu.memory_space<vmem>>
    %dma_start3A_79 = arith.constant 0 : i32
    %dma_start3A_80 = arith.constant 0 : i32
    %dma_start3A_81 = tpu.memref_slice %arg12[%dma_start3A_79, %dma_start3A_80] : memref<10240x128xbf16, #tpu.memory_space<vmem_shared>> -> memref<10240x128xbf16, #tpu.memory_space<vmem_shared>>
    tpu.enqueue_indirect_dma source(%arg9 : memref<128x128xbf16, #tpu.memory_space<vmem>>) target(%dma_start3A_81 : memref<10240x128xbf16, #tpu.memory_space<vmem_shared>>) offsets(%dma_start3A_78 : memref<128xi32, #tpu.memory_space<vmem>>) semaphore(%arg16 : memref<!tpu.dma_semaphore, #tpu.memory_space<semaphore_mem>>) {add = true}
    %dma_wait3A_82 = arith.constant 78 : i32
    %dma_wait3A_83 = arith.constant 0 : i32
    %dma_wait3A_84 = tpu.memref_slice %arg8[%dma_wait3A_82, %dma_wait3A_83] : memref<80x128xi32, #tpu.memory_space<vmem>> -> memref<1x128xi32, #tpu.memory_space<vmem>>
    %dma_wait3A_85 = tpu.memref_squeeze %dma_wait3A_84 : memref<1x128xi32, #tpu.memory_space<vmem>> -> memref<128xi32, #tpu.memory_space<vmem>>
    %dma_wait3A_86 = arith.constant 0 : i32
    %dma_wait3A_87 = arith.constant 0 : i32
    %dma_wait3A_88 = tpu.memref_slice %arg12[%dma_wait3A_86, %dma_wait3A_87] : memref<10240x128xbf16, #tpu.memory_space<vmem_shared>> -> memref<10240x128xbf16, #tpu.memory_space<vmem_shared>>
    tpu.wait_indirect_dma semaphore(%arg17 : memref<!tpu.dma_semaphore, #tpu.memory_space<semaphore_mem>>) src(%arg10 : memref<128x128xbf16, #tpu.memory_space<vmem>>) dst(%dma_wait3A_88 : memref<10240x128xbf16, #tpu.memory_space<vmem_shared>>)
    %dma_wait3A_89 = arith.constant 79 : i32
    %dma_wait3A_90 = arith.constant 0 : i32
    %dma_wait3A_91 = tpu.memref_slice %arg8[%dma_wait3A_89, %dma_wait3A_90] : memref<80x128xi32, #tpu.memory_space<vmem>> -> memref<1x128xi32, #tpu.memory_space<vmem>>
    %dma_wait3A_92 = tpu.memref_squeeze %dma_wait3A_91 : memref<1x128xi32, #tpu.memory_space<vmem>> -> memref<128xi32, #tpu.memory_space<vmem>>
    %dma_wait3A_93 = arith.constant 0 : i32
    %dma_wait3A_94 = arith.constant 0 : i32
    %dma_wait3A_95 = tpu.memref_slice %arg12[%dma_wait3A_93, %dma_wait3A_94] : memref<10240x128xbf16, #tpu.memory_space<vmem_shared>> -> memref<10240x128xbf16, #tpu.memory_space<vmem_shared>>
    tpu.wait_indirect_dma semaphore(%arg16 : memref<!tpu.dma_semaphore, #tpu.memory_space<semaphore_mem>>) src(%arg9 : memref<128x128xbf16, #tpu.memory_space<vmem>>) dst(%dma_wait3A_95 : memref<10240x128xbf16, #tpu.memory_space<vmem_shared>>)
    %barrier3A_96 = arith.constant 0 : index
    tpu.barrier barrier_id(%barrier3A_96)
    %mul3A_97 = arith.constant 10240 : i32
    %mul3A_98 = arith.muli %arg0, %mul3A_97 : i32
    %add3A_99 = arith.addi %mul3A_98, %mul3A_0 : i32
    "tpu.region"() ({
      %run_scoped3A = tpu.sem_alloc : memref<!tpu.dma_semaphore, #tpu.memory_space<semaphore_mem>>
      %dma_start3A_100 = arith.constant 0 : i32
      %dma_start3A_101 = tpu.memref_slice %arg6[%add3A_99, %dma_start3A_100] : memref<20480x128xbf16, #tpu.memory_space<hbm>> -> memref<640x128xbf16, #tpu.memory_space<hbm>>
      %dma_start3A_102 = arith.constant 0 : i32
      %dma_start3A_103 = tpu.memref_slice %arg12[%mul3A_0, %dma_start3A_102] : memref<10240x128xbf16, #tpu.memory_space<vmem_shared>> -> memref<640x128xbf16, #tpu.memory_space<vmem_shared>>
      tpu.enqueue_dma source(%dma_start3A_103 : memref<640x128xbf16, #tpu.memory_space<vmem_shared>>) target(%dma_start3A_101 : memref<640x128xbf16, #tpu.memory_space<hbm>>) target_semaphore(%run_scoped3A : memref<!tpu.dma_semaphore, #tpu.memory_space<semaphore_mem>>)
      %dma_wait3A_104 = arith.constant 0 : i32
      %dma_wait3A_105 = tpu.memref_slice %arg6[%add3A_99, %dma_wait3A_104] : memref<20480x128xbf16, #tpu.memory_space<hbm>> -> memref<640x128xbf16, #tpu.memory_space<hbm>>
      %dma_wait3A_106 = arith.constant 0 : i32
      %dma_wait3A_107 = tpu.memref_slice %arg12[%mul3A_0, %dma_wait3A_106] : memref<10240x128xbf16, #tpu.memory_space<vmem_shared>> -> memref<640x128xbf16, #tpu.memory_space<vmem_shared>>
      tpu.wait_dma2 semaphore(%run_scoped3A : memref<!tpu.dma_semaphore, #tpu.memory_space<semaphore_mem>>) src(%dma_wait3A_107 : memref<640x128xbf16, #tpu.memory_space<vmem_shared>>) dst(%dma_wait3A_105 : memref<640x128xbf16, #tpu.memory_space<hbm>>)
      tpu.yield
    }) : () -> ()
    return
  }
}

module attributes {stable_mosaic.version = 14 : i64} {
  func.func @_mm_relu_body(%arg0: i32, %arg1: memref<512x128xbf16, #tpu.memory_space<vmem>>, %arg2: memref<512x128xbf16, #tpu.memory_space<vmem>>, %arg3: memref<512x1xf32, #tpu.memory_space<vmem>>, %arg4: memref<512x1xf32, #tpu.memory_space<vmem>>, %arg5: memref<128x128xf32, #tpu.memory_space<vmem>>, %arg6: memref<1x128xf32, #tpu.memory_space<vmem>>, %arg7: memref<512x128xbf16, #tpu.memory_space<vmem>>) attributes {dimension_semantics = [#tpu.dimension_semantics<arbitrary>], iteration_bounds = array<i64: 20>, scalar_prefetch = 0 : i64, scratch_operands = 0 : i64, tpu.core_type = #tpu.core_type<tc>, window_params = [{transform_indices = @transform_0, window_bounds = array<i64: 512, 128>}, {transform_indices = @transform_1, window_bounds = array<i64: 512, 128>}, {transform_indices = @transform_2, window_bounds = array<i64: 512, 1>}, {transform_indices = @transform_3, window_bounds = array<i64: 512, 1>}, {pipeline_mode = #tpu.pipeline_mode<synchronous>, transform_indices = @transform_4, window_bounds = array<i64: 128, 128>}, {pipeline_mode = #tpu.pipeline_mode<synchronous>, transform_indices = @transform_5, window_bounds = array<i64: 1, 128>}, {transform_indices = @transform_6, window_bounds = array<i64: 512, 128>}]} {
    %get3A = arith.constant 0 : index
    %get3A_0 = arith.constant 0 : index
    %get3A_1 = vector.load %arg3[%get3A, %get3A_0] : memref<512x1xf32, #tpu.memory_space<vmem>>, vector<512x1xf32>
    %get3A_2 = arith.constant 0 : index
    %get3A_3 = arith.constant 0 : index
    %get3A_4 = vector.load %arg4[%get3A_2, %get3A_3] : memref<512x1xf32, #tpu.memory_space<vmem>>, vector<512x1xf32>
    %add3A = arith.addf %get3A_1, %get3A_4 : vector<512x1xf32>
    %max3A = arith.constant 1.000000e+00 : f32
    %max3A_5 = vector.broadcast %max3A : f32 to vector<512x1xf32>
    %max3A_6 = arith.maximumf %add3A, %max3A_5 : vector<512x1xf32>
    %get3A_7 = arith.constant 0 : index
    %get3A_8 = arith.constant 0 : index
    %get3A_9 = vector.load %arg1[%get3A_7, %get3A_8] : memref<512x128xbf16, #tpu.memory_space<vmem>>, vector<512x128xbf16>
    %convert_element_type3A = arith.extf %get3A_9 : vector<512x128xbf16> to vector<512x128xf32>
    %get3A_10 = arith.constant 0 : index
    %get3A_11 = arith.constant 0 : index
    %get3A_12 = vector.load %arg2[%get3A_10, %get3A_11] : memref<512x128xbf16, #tpu.memory_space<vmem>>, vector<512x128xbf16>
    %convert_element_type3A_13 = arith.extf %get3A_12 : vector<512x128xbf16> to vector<512x128xf32>
    %add3A_14 = arith.addf %convert_element_type3A, %convert_element_type3A_13 : vector<512x128xf32>
    %div3A = vector.broadcast %max3A_6 : vector<512x1xf32> to vector<512x128xf32>
    %div3A_15 = arith.divf %add3A_14, %div3A : vector<512x128xf32>
    %get3A_16 = arith.constant 0 : index
    %get3A_17 = arith.constant 0 : index
    %get3A_18 = vector.load %arg5[%get3A_16, %get3A_17] : memref<128x128xf32, #tpu.memory_space<vmem>>, vector<128x128xf32>
    %dot_general3A = arith.constant dense<0.000000e+00> : vector<512x128xf32>
    %dot_general3A_19 = tpu.matmul %div3A_15, %get3A_18, %dot_general3A {dimension_numbers = #tpu.dot_dimension_numbers<[1], [0], [0], [1], [0, 0, 1, 1], [], []>, transpose_lhs_hint = false} : vector<512x128xf32>, vector<128x128xf32>, vector<512x128xf32> -> vector<512x128xf32>
    %get3A_20 = arith.constant 0 : index
    %get3A_21 = arith.constant 0 : index
    %get3A_22 = vector.load %arg6[%get3A_20, %get3A_21] : memref<1x128xf32, #tpu.memory_space<vmem>>, vector<1x128xf32>
    %add3A_23 = vector.broadcast %get3A_22 : vector<1x128xf32> to vector<512x128xf32>
    %add3A_24 = arith.addf %dot_general3A_19, %add3A_23 : vector<512x128xf32>
    %max3A_25 = arith.constant 0.000000e+00 : f32
    %max3A_26 = vector.broadcast %max3A_25 : f32 to vector<512x128xf32>
    %max3A_27 = arith.maximumf %add3A_24, %max3A_26 : vector<512x128xf32>
    %convert_element_type3A_28 = arith.truncf %max3A_27 : vector<512x128xf32> to vector<512x128xbf16>
    %swap3A = arith.constant 0 : index
    %swap3A_29 = arith.constant 0 : index
    %swap3A_30 = vector.load %arg7[%swap3A, %swap3A_29] : memref<512x128xbf16, #tpu.memory_space<vmem>>, vector<512x128xbf16>
    tpu.vector_store %arg7[%swap3A, %swap3A_29], %convert_element_type3A_28 {strides = array<i32>} : memref<512x128xbf16, #tpu.memory_space<vmem>>, vector<512x128xbf16>,
    return
  }
  func.func @transform_0(%arg0: i32) -> (i32, i32) {
    %c0_i32 = arith.constant 0 : i32
    %c0_i32_0 = arith.constant 0 : i32
    return %arg0, %c0_i32 : i32, i32
  }
  func.func @transform_1(%arg0: i32) -> (i32, i32) {
    %add3A = arith.constant 20 : i32
    %add3A_0 = arith.addi %arg0, %add3A : i32
    %c0_i32 = arith.constant 0 : i32
    %c0_i32_1 = arith.constant 0 : i32
    return %add3A_0, %c0_i32 : i32, i32
  }
  func.func @transform_2(%arg0: i32) -> (i32, i32) {
    %c0_i32 = arith.constant 0 : i32
    %c0_i32_0 = arith.constant 0 : i32
    return %arg0, %c0_i32 : i32, i32
  }
  func.func @transform_3(%arg0: i32) -> (i32, i32) {
    %add3A = arith.constant 20 : i32
    %add3A_0 = arith.addi %arg0, %add3A : i32
    %c0_i32 = arith.constant 0 : i32
    %c0_i32_1 = arith.constant 0 : i32
    return %add3A_0, %c0_i32 : i32, i32
  }
  func.func @transform_4(%arg0: i32) -> (i32, i32) {
    %c0_i32 = arith.constant 0 : i32
    %c0_i32_0 = arith.constant 0 : i32
    %c0_i32_1 = arith.constant 0 : i32
    return %c0_i32, %c0_i32_0 : i32, i32
  }
  func.func @transform_5(%arg0: i32) -> (i32, i32) {
    %c0_i32 = arith.constant 0 : i32
    %c0_i32_0 = arith.constant 0 : i32
    %c0_i32_1 = arith.constant 0 : i32
    return %c0_i32, %c0_i32_0 : i32, i32
  }
  func.func @transform_6(%arg0: i32) -> (i32, i32) {
    %c0_i32 = arith.constant 0 : i32
    %c0_i32_0 = arith.constant 0 : i32
    return %arg0, %c0_i32 : i32, i32
  }
}

module attributes {stable_mosaic.version = 14 : i64} {
  func.func @_mm_fused_body(%arg0: i32, %arg1: memref<512x128xbf16, #tpu.memory_space<vmem>>, %arg2: memref<512x128xbf16, #tpu.memory_space<vmem>>, %arg3: memref<512x1xf32, #tpu.memory_space<vmem>>, %arg4: memref<512x1xf32, #tpu.memory_space<vmem>>, %arg5: memref<128x128xf32, #tpu.memory_space<vmem>>, %arg6: memref<1x128xf32, #tpu.memory_space<vmem>>, %arg7: memref<128x128xf32, #tpu.memory_space<vmem>>, %arg8: memref<1x128xf32, #tpu.memory_space<vmem>>, %arg9: memref<512x128xf32, #tpu.memory_space<vmem>>) attributes {dimension_semantics = [#tpu.dimension_semantics<arbitrary>], iteration_bounds = array<i64: 20>, scalar_prefetch = 0 : i64, scratch_operands = 0 : i64, tpu.core_type = #tpu.core_type<tc>, window_params = [{transform_indices = @transform_0, window_bounds = array<i64: 512, 128>}, {transform_indices = @transform_1, window_bounds = array<i64: 512, 128>}, {transform_indices = @transform_2, window_bounds = array<i64: 512, 1>}, {transform_indices = @transform_3, window_bounds = array<i64: 512, 1>}, {pipeline_mode = #tpu.pipeline_mode<synchronous>, transform_indices = @transform_4, window_bounds = array<i64: 128, 128>}, {pipeline_mode = #tpu.pipeline_mode<synchronous>, transform_indices = @transform_5, window_bounds = array<i64: 1, 128>}, {pipeline_mode = #tpu.pipeline_mode<synchronous>, transform_indices = @transform_6, window_bounds = array<i64: 128, 128>}, {pipeline_mode = #tpu.pipeline_mode<synchronous>, transform_indices = @transform_7, window_bounds = array<i64: 1, 128>}, {transform_indices = @transform_8, window_bounds = array<i64: 512, 128>}]} {
    %get3A = arith.constant 0 : index
    %get3A_0 = arith.constant 0 : index
    %get3A_1 = vector.load %arg3[%get3A, %get3A_0] : memref<512x1xf32, #tpu.memory_space<vmem>>, vector<512x1xf32>
    %get3A_2 = arith.constant 0 : index
    %get3A_3 = arith.constant 0 : index
    %get3A_4 = vector.load %arg4[%get3A_2, %get3A_3] : memref<512x1xf32, #tpu.memory_space<vmem>>, vector<512x1xf32>
    %add3A = arith.addf %get3A_1, %get3A_4 : vector<512x1xf32>
    %max3A = arith.constant 1.000000e+00 : f32
    %max3A_5 = vector.broadcast %max3A : f32 to vector<512x1xf32>
    %max3A_6 = arith.maximumf %add3A, %max3A_5 : vector<512x1xf32>
    %get3A_7 = arith.constant 0 : index
    %get3A_8 = arith.constant 0 : index
    %get3A_9 = vector.load %arg1[%get3A_7, %get3A_8] : memref<512x128xbf16, #tpu.memory_space<vmem>>, vector<512x128xbf16>
    %convert_element_type3A = arith.extf %get3A_9 : vector<512x128xbf16> to vector<512x128xf32>
    %get3A_10 = arith.constant 0 : index
    %get3A_11 = arith.constant 0 : index
    %get3A_12 = vector.load %arg2[%get3A_10, %get3A_11] : memref<512x128xbf16, #tpu.memory_space<vmem>>, vector<512x128xbf16>
    %convert_element_type3A_13 = arith.extf %get3A_12 : vector<512x128xbf16> to vector<512x128xf32>
    %add3A_14 = arith.addf %convert_element_type3A, %convert_element_type3A_13 : vector<512x128xf32>
    %div3A = vector.broadcast %max3A_6 : vector<512x1xf32> to vector<512x128xf32>
    %div3A_15 = arith.divf %add3A_14, %div3A : vector<512x128xf32>
    %get3A_16 = arith.constant 0 : index
    %get3A_17 = arith.constant 0 : index
    %get3A_18 = vector.load %arg5[%get3A_16, %get3A_17] : memref<128x128xf32, #tpu.memory_space<vmem>>, vector<128x128xf32>
    %dot_general3A = arith.constant dense<0.000000e+00> : vector<512x128xf32>
    %dot_general3A_19 = tpu.matmul %div3A_15, %get3A_18, %dot_general3A {dimension_numbers = #tpu.dot_dimension_numbers<[1], [0], [0], [1], [0, 0, 1, 1], [], []>, transpose_lhs_hint = false} : vector<512x128xf32>, vector<128x128xf32>, vector<512x128xf32> -> vector<512x128xf32>
    %get3A_20 = arith.constant 0 : index
    %get3A_21 = arith.constant 0 : index
    %get3A_22 = vector.load %arg6[%get3A_20, %get3A_21] : memref<1x128xf32, #tpu.memory_space<vmem>>, vector<1x128xf32>
    %add3A_23 = vector.broadcast %get3A_22 : vector<1x128xf32> to vector<512x128xf32>
    %add3A_24 = arith.addf %dot_general3A_19, %add3A_23 : vector<512x128xf32>
    %max3A_25 = arith.constant 0.000000e+00 : f32
    %max3A_26 = vector.broadcast %max3A_25 : f32 to vector<512x128xf32>
    %max3A_27 = arith.maximumf %add3A_24, %max3A_26 : vector<512x128xf32>
    %get3A_28 = arith.constant 0 : index
    %get3A_29 = arith.constant 0 : index
    %get3A_30 = vector.load %arg7[%get3A_28, %get3A_29] : memref<128x128xf32, #tpu.memory_space<vmem>>, vector<128x128xf32>
    %dot_general3A_31 = arith.constant dense<0.000000e+00> : vector<512x128xf32>
    %dot_general3A_32 = tpu.matmul %max3A_27, %get3A_30, %dot_general3A_31 {dimension_numbers = #tpu.dot_dimension_numbers<[1], [0], [0], [1], [0, 0, 1, 1], [], []>, transpose_lhs_hint = false} : vector<512x128xf32>, vector<128x128xf32>, vector<512x128xf32> -> vector<512x128xf32>
    %get3A_33 = arith.constant 0 : index
    %get3A_34 = arith.constant 0 : index
    %get3A_35 = vector.load %arg8[%get3A_33, %get3A_34] : memref<1x128xf32, #tpu.memory_space<vmem>>, vector<1x128xf32>
    %add3A_36 = vector.broadcast %get3A_35 : vector<1x128xf32> to vector<512x128xf32>
    %add3A_37 = arith.addf %dot_general3A_32, %add3A_36 : vector<512x128xf32>
    %swap3A = arith.constant 0 : index
    %swap3A_38 = arith.constant 0 : index
    %swap3A_39 = vector.load %arg9[%swap3A, %swap3A_38] : memref<512x128xf32, #tpu.memory_space<vmem>>, vector<512x128xf32>
    tpu.vector_store %arg9[%swap3A, %swap3A_38], %add3A_37 {strides = array<i32>} : memref<512x128xf32, #tpu.memory_space<vmem>>, vector<512x128xf32>,
    return
  }
  func.func @transform_0(%arg0: i32) -> (i32, i32) {
    %c0_i32 = arith.constant 0 : i32
    %c0_i32_0 = arith.constant 0 : i32
    return %arg0, %c0_i32 : i32, i32
  }
  func.func @transform_1(%arg0: i32) -> (i32, i32) {
    %add3A = arith.constant 20 : i32
    %add3A_0 = arith.addi %arg0, %add3A : i32
    %c0_i32 = arith.constant 0 : i32
    %c0_i32_1 = arith.constant 0 : i32
    return %add3A_0, %c0_i32 : i32, i32
  }
  func.func @transform_2(%arg0: i32) -> (i32, i32) {
    %c0_i32 = arith.constant 0 : i32
    %c0_i32_0 = arith.constant 0 : i32
    return %arg0, %c0_i32 : i32, i32
  }
  func.func @transform_3(%arg0: i32) -> (i32, i32) {
    %add3A = arith.constant 20 : i32
    %add3A_0 = arith.addi %arg0, %add3A : i32
    %c0_i32 = arith.constant 0 : i32
    %c0_i32_1 = arith.constant 0 : i32
    return %add3A_0, %c0_i32 : i32, i32
  }
  func.func @transform_4(%arg0: i32) -> (i32, i32) {
    %c0_i32 = arith.constant 0 : i32
    %c0_i32_0 = arith.constant 0 : i32
    %c0_i32_1 = arith.constant 0 : i32
    return %c0_i32, %c0_i32_0 : i32, i32
  }
  func.func @transform_5(%arg0: i32) -> (i32, i32) {
    %c0_i32 = arith.constant 0 : i32
    %c0_i32_0 = arith.constant 0 : i32
    %c0_i32_1 = arith.constant 0 : i32
    return %c0_i32, %c0_i32_0 : i32, i32
  }
  func.func @transform_6(%arg0: i32) -> (i32, i32) {
    %c0_i32 = arith.constant 0 : i32
    %c0_i32_0 = arith.constant 0 : i32
    %c0_i32_1 = arith.constant 0 : i32
    return %c0_i32, %c0_i32_0 : i32, i32
  }
  func.func @transform_7(%arg0: i32) -> (i32, i32) {
    %c0_i32 = arith.constant 0 : i32
    %c0_i32_0 = arith.constant 0 : i32
    %c0_i32_1 = arith.constant 0 : i32
    return %c0_i32, %c0_i32_0 : i32, i32
  }
  func.func @transform_8(%arg0: i32) -> (i32, i32) {
    %c0_i32 = arith.constant 0 : i32
    %c0_i32_0 = arith.constant 0 : i32
    return %arg0, %c0_i32 : i32, i32
  }
}

</mosaic_0001>

<sc_bundles>
// kernel: kernel.6.cloned.1.call-start
scs
__scs_entry_jumppad:
0x0: {  	(pc) =	sbr.rel $0x88, $3  }
0x1: {  	(tag) =	ssettag $0x0;
	lr =	simm.s32 $0x1  }
0x2: {  	[smem:$0x3F99] =	sst lr;
	_ =	strace $0xD0000000  }
0x3: {  	_ = 	snop  }
0x4: {  	_ = 	snop  }
0x5: {  	_ = 	snop  }
0x6: {  	_ = 	snop  }
0x7: {  	_ = 	snop  }
__scs_overlays_trampoline_lowered:
0x8: {  	[smem:$0x3FA8] =	sst s0  }
0x9: {  	[smem:$0x3FA9] =	sst s1  }
0xa: {  	[smem:$0x3FAA] =	sst s2  }
0xb: {  	[smem:$0x3FAB] =	sst s3  }
0xc: {  	[smem:$0x3FAC] =	sst s4  }
0xd: {  	[smem:$0x3FAD] =	sst s5  }
0xe: {  	[smem:$0x3FAE] =	sst s6  }
0xf: {  	[smem:$0x3FAF] =	sst s7  }
0x10: {  	[smem:$0x3FB0] =	sst s8  }
0x11: {  	[smem:$0x3FB1] =	sst s9;
	s0 =	simm.s32 @!p0 $0x0  }
0x12: {  	s1 =	sld [smem:$0x3F97];
	s0 =	simm.s32 @p0 $0x1  }
0x13: {  	[smem:$0x3FB2] =	sst s0;
	s0 =	simm.s32 @!p1 $0x0  }
0x14: {  	s2 =	sld [smem:$0x3F96];
	s0 =	simm.s32 @p1 $0x1  }
0x15: {  	[smem:$0x3FB3] =	sst s0;
	s0 =	simm.s32 @!p2 $0x0  }
0x16: {  	s3 =	sld [smem:$0x3FDB];
	s0 =	simm.s32 @p2 $0x1  }
0x17: {  	s4 =	simm.s32 $0x1BF5;
	[smem:$0x3FB5] =	sst s0  }
0x18: {  	s0 =	sld [smem:$0x3F98];
	_ =	swait.ge [sflag:s4], $0x0  }
0x19: {  	s7 =	sld [smem:$0x3F99]  }
0x1a: {  	s8 =	sadd.s32 $0xFFFFE003, lr  }
0x1b: {  	s9 =	sadd.s32 $0xFFFFFEF7, lr;
	s5 =	simm.s32 $0xFFFFFFFF;
	p2 =	slt.u32 s8, $0xFFFFF086  }
0x1c: {  	p1 =	slt.u32 s9, $0xF7A;
	s5 =	simm.s32 @!p2 $0x0  }
0x1d: {  	s5 =	simm.s32 @p1 $0x1;
	p0 =	seq.s32 s7, s2  }
0x1e: {  	s7 =	smul.u32 @!p0 $0xF7A, s2;
	p2 =	seq.s32 @!p0 s5, $0x0  }
0x1f: {  	s9 =	smul.u32 $0xF7A, s1;
	s8 =	simm.s32 @!p0 $0x1BF5;
	p2 =	por !p2, p0  }
0x20: {  	[sflag:s8] =	ssyncset.s32 @!p0 $0xFFFFF086;
	s6 =	sadd.s32 @!p0 s3, s7;
	s7 =	simm.s32 @!p0 $0x108  }
0x21: {  	s3 =	sadd.s32 s3, s9;
	s6 =	sadd.s32 @!p0 $0x88, s6;
	s7 =	simm.s32 @p2 $0x1082  }
0x22: {  	[simem:s7], [sflag:s8] =	dma.local @!p0 [hbm:s6], $0xF7A  }
0x23: {  	s9 =	sor.u32 $0xD0000000, s2;
	s6 =	simm.s32 $0x108;
	_ =	swait.ge @!p0 [sflag:s8], $0x0  }
0x24: {  	s3 =	sadd.s32 $0x88, s3;
	s6 =	simm.s32 @!p1 $0x1082;
	[sflag:s4] =	ssyncset.s32 $0xFFFFF086  }
0x25: {  	[simem:s6], [sflag:s4] =	dma.local [hbm:s3], $0xF7A  }
0x26: {  	[smem:$0x3F99] =	sst s1;
	(tag) =	ssettag s2;
	_ =	strace s9  }
0x27: {  	s1 =	sld [smem:$0x3FA9]  }
0x28: {  	s2 =	sld [smem:$0x3FAA]  }
0x29: {  	s4 =	sld [smem:$0x3FAC]  }
0x2a: {  	p0 =	seq.s32 s5, $0x0;
	s5 =	sld [smem:$0x3FAD]  }
0x2b: {  	s6 =	sld [smem:$0x3FAE]  }
0x2c: {  	s7 =	sld [smem:$0x3FAF]  }
0x2d: {  	s3 =	simm.s32 $0x108;
	s8 =	sld [smem:$0x3FB0]  }
0x2e: {  	s3 =	simm.s32 @!p0 $0x1082;
	s9 =	sld [smem:$0x3FB1]  }
0x2f: {  	lr =	sadd.s32 s0, s3;
	s0 =	sld [smem:$0x3FA8]  }
0x30: {  	s3 =	sld [smem:$0x3FAB]  }
0x31: {  	[smem:$0x3FB4] =	sst s10  }
0x32: {  	s10 =	sld [smem:$0x3FB2];
	_ =	sdelay $0x3  }
0x33: {  	p0 =	seq.s32 s10, $0x1;
	s10 =	sld [smem:$0x3FB4];
	_ =	sdelay $0x3  }
0x34: {  	[smem:$0x3FB4] =	sst s10  }
0x35: {  	s10 =	sld [smem:$0x3FB3];
	_ =	sdelay $0x3  }
0x36: {  	p1 =	seq.s32 s10, $0x1;
	s10 =	sld [smem:$0x3FB4];
	_ =	sdelay $0x3  }
0x37: {  	[smem:$0x3FB4] =	sst s10  }
0x38: {  	s10 =	sld [smem:$0x3FB5]  }
0x39: {  	_ = 	snop;
	(pc) =	sbr.ind lr, $3  }
0x3a: {  	_ = 	snop  }
0x3b: {  	_ = 	snop  }
0x3c: {  	p2 =	seq.s32 s10, $0x1;
	s10 =	sld [smem:$0x3FB4]  }
0x3d: {  	_ =	shalt  }
0x3e: {  	_ =	shalt  }
0x3f: {  	_ =	shalt  }
0x40: {  	_ =	shalt  }
0x41: {  	_ =	shalt  }
0x42: {  	_ =	shalt  }
0x43: {  	_ =	shalt  }
0x44: {  	_ =	shalt  }
0x45: {  	_ =	shalt  }
0x46: {  	_ =	shalt  }
0x47: {  	_ =	shalt  }
0x48: {  	_ =	shalt  }
0x49: {  	_ =	shalt  }
0x4a: {  	_ =	shalt  }
0x4b: {  	_ =	shalt  }
0x4c: {  	_ =	shalt  }
0x4d: {  	_ =	shalt  }
0x4e: {  	_ =	shalt  }
0x4f: {  	_ =	shalt  }
0x50: {  	_ =	shalt  }
0x51: {  	_ =	shalt  }
0x52: {  	_ =	shalt  }
0x53: {  	_ =	shalt  }
0x54: {  	_ =	shalt  }
0x55: {  	_ =	shalt  }
0x56: {  	_ =	shalt  }
0x57: {  	_ =	shalt  }
0x58: {  	_ =	shalt  }
0x59: {  	_ =	shalt  }
0x5a: {  	_ =	shalt  }
0x5b: {  	_ =	shalt  }
0x5c: {  	_ =	shalt  }
0x5d: {  	_ =	shalt  }
0x5e: {  	_ =	shalt  }
0x5f: {  	_ =	shalt  }
0x60: {  	_ =	shalt  }
0x61: {  	_ =	shalt  }
0x62: {  	_ =	shalt  }
0x63: {  	_ =	shalt  }
0x64: {  	_ =	shalt  }
0x65: {  	_ =	shalt  }
0x66: {  	_ =	shalt  }
0x67: {  	_ =	shalt  }
0x68: {  	_ =	shalt  }
0x69: {  	_ =	shalt  }
0x6a: {  	_ =	shalt  }
0x6b: {  	_ =	shalt  }
0x6c: {  	_ =	shalt  }
0x6d: {  	_ =	shalt  }
0x6e: {  	_ =	shalt  }
0x6f: {  	_ =	shalt  }
0x70: {  	_ =	shalt  }
0x71: {  	_ =	shalt  }
0x72: {  	_ =	shalt  }
0x73: {  	_ =	shalt  }
0x74: {  	_ =	shalt  }
0x75: {  	_ =	shalt  }
0x76: {  	_ =	shalt  }
0x77: {  	_ =	shalt  }
0x78: {  	_ =	shalt  }
0x79: {  	_ =	shalt  }
0x7a: {  	_ =	shalt  }
0x7b: {  	_ =	shalt  }
0x7c: {  	_ =	shalt  }
0x7d: {  	_ =	shalt  }
0x7e: {  	_ =	shalt  }
0x7f: {  	_ =	shalt  }
0x80: {  	_ =	shalt  }
0x81: {  	_ =	shalt  }
0x82: {  	_ =	shalt  }
0x83: {  	_ =	shalt  }
0x84: {  	_ =	shalt  }
0x85: {  	_ =	shalt  }
0x86: {  	_ =	shalt  }
0x87: {  	_ =	shalt  }
.Lfunc_end0:
.L_simem_size_0:
called_computation_lowered:
.L_overlay_start_0:
0x88: {  	s2 =	sld [smem:$0x3FD9]  }
0x89: {  	s3 =	sld [smem:$0x3FFE];
	_ =	sdelay $0x1  }
0x8a: {  	s1 =	srdreg.scid  }
0x8b: {  	s0 =	sand.u32 $0x1, s1  }
0x8c: {  	s17 =	sshll.u32 s0, $0xA;
	s2 =	sadd.s32 s3, s2  }
0x8d: {  	s2 =	sadd.s32 s2, s17  }
0x8e: {  	[smem:$0x3FC0] =	sst s2  }
0x8f: {  	_ = 	snop  }
0x90: {  	s2 =	sld [smem:$0x3FD0];
	(tm) =	ssettm $0x1  }
0x91: {  	s18 =	sld [smem:$0x3FFB];
	_ =	sdelay $0x3  }
0x92: {  	_ =	strace s18  }
0x93: {  	s3 =	sld [smem:$0x3FFC];
	_ =	sdelay $0x3  }
0x94: {  	_ =	strace s3  }
0x95: {  	s3 =	sld [smem:$0x3FFD];
	_ =	sdelay $0x3  }
0x96: {  	_ =	strace s3  }
0x97: {  	_ =	strace $0x8FFFFFFF  }
0x98: {  	s19 =	sld [smem:$0x3FDB];
	_ =	sdelay $0x1  }
0x99: {  	s4 =	simm.s32 $_scs_section_size  }
0x9a: {  	s5 =	simm.s32 $_size__tile_overlayer_lowered;
	s6 =	simm.s32 $_tile_overlayer_lowered  }
0x9b: {  	s22 =	simm.s32 $0x1BFF;
	s21 =	sshll.u32 s6, $0x1;
	s3 =	sadd.s32 s4, s19  }
0x9c: {  	s7 =	simm.s32 $0x0;
	s20 =	sshll.u32 s5, $0x1;
	s5 =	sadd.s32 s21, s3  }
0x9d: {  	[timem:s7], [sflag:s22] =	dma.local [hbm:s5], s20  }
0x9e: {  	_ =	swait.ge [sflag:s22], s20  }
0x9f: {  	s4 =	ssub.s32 $0x0, s20;
	[sflag:s22] =	ssyncset.done $0x0  }
0xa0: {  	[sflag:s22] =	ssyncadd.s32 s4;
	_ =	sdelay $0x1  }
0xa1: {  	s23 =	simm.s32 $0x1B8B  }
0xa2: {  	_ =	swait.ge [sflag:s23], $0x1  }
0xa3: {  	[sflag:s23] =	ssyncset.done $0x0  }
0xa4: {  	s25 =	simm.s32 $0x1B8E;
	s24 =	sld [smem:$0x3FFE];
	[sflag:s23] =	ssyncadd.s32 $0xFFFFFFFF  }
0xa5: {  	s26 =	simm.s32 $execute0_lowered;
	[smem:$0x3FD2] =	sst s25  }
0xa6: {  	s5 =	sshll.u32 s26, $0x1;
	_ =	strace $0x80000046;
	[dreg:$0x1] =	wrdreg $0xFFFFFFFF  }
0xa7: {  	s28 =	simm.s32 $_size_execute0_lowered;
	s3 =	sadd.s32 s3, s5;
	[dreg:$0x0] =	wrdreg $0x0  }
0xa8: {  	s5 =	sshll.u32 s28, $0x1;
	[dreg:$0x2] =	wrdreg s3  }
0xa9: {  	[dreg:$0x3] =	wrdreg s5  }
0xaa: {  	[dreg:$0x4] =	wrdreg $0xC0  }
0xab: {  	_ =	task [dreg:s7], $0x5FFFF  }
0xac: {  	[dreg:$0x1] =	wrdreg $0xFFFFFFFF  }
0xad: {  	[dreg:$0x0] =	wrdreg $0x60  }
0xae: {  	[dreg:$0x2] =	wrdreg s24  }
0xaf: {  	[dreg:$0x3] =	wrdreg s2  }
0xb0: {  	[dreg:$0x4] =	wrdreg $0x90800  }
0xb1: {  	[dreg:$0x5] =	wrdreg $0x130800  }
0xb2: {  	[dreg:$0x6] =	wrdreg $0x9  }
0xb3: {  	_ =	task.clear_ibuf [dreg:s7], $0x7FFFF;
	_ =	strace $0x90000046  }
0xb4: {  	s29 =	simm.s32 $0x9;
	_ =	strace $0x80000048  }
0xb5: {  	_ =	swait.ge [sflag:s29], $0x1  }
0xb6: {  	[sflag:s29] =	ssyncadd.s32 $0xFFFFFFFF  }
0xb7: {  	_ =	strace $0x90000048  }
0xb8: {  	_ =	sfence  }
0xb9: {  	s30 =	sld [smem:$0x0];
	_ =	sdelay $0x2  }
0xba: {  	s31 =	sshll.u32 s1, $0xD;
	s1 =	sshrl.u32 s1, $0x2  }
0xbb: {  	s3 =	sand.u32 $0x4000, s31;
	s1 =	sadd.s32 s1, s30  }
0xbc: {  	s0 =	sor.u32 s3, s0;
	s1 =	sshll.u32 s1, $0x11  }
0xbd: {  	s0 =	sor.u32 s1, s0  }
0xbe: {  	s0 =	sadd.s32 $0x8F2B, s0  }
0xbf: {  	[sflag:s0] =	ssyncadd.remote.s32 $0x1  }
0xc0: {  	_ =	sfence.sel $0xFFFF  }
0xc1: {  	[dreg:$0x0] =	wrdreg $0xFFFFFFFF;
	(pc) =	sbr.abs _section_cstart, $3  }
0xc2: {  	[dreg:$0x1] =	wrdreg $0xFFFFFFFF  }
0xc3: {  	_ =	task.clear_ibuf [dreg:s7], $0x2FFFF;
	_ =	strace $0x9FFFFFFF  }
0xc4: {  	(tm) =	ssettm $0x7FFFFFFF  }
0xc5: {  	_ =	shalt  }
tec
execute0_lowered:
.L_overlay_start_1:
0x0: {  	(tag) =	ssettag $0x1  }
0x1: {  	s0 =	rddreg [dreg:$0x0]  }
0x2: {  	s1 =	rddreg [dreg:$0x1];
	s3 =	srdreg.scid  }
0x3: {  	s15 =	stileid.u32;
	s2 =	rddreg [dreg:$0x2]  }
0x4: {  	s4 =	simm.s32 $0x0;
	s18 =	simm.s32 $0x80;
	s19 =	simm.s32 $0x5000  }
0x5: {  	s20 =	simm.s32 $0x7000;
	s21 =	simm.s32 $0x1;
	s22 =	simm.s32 $0x9000  }
0x6: {  	s28 =	simm.s32 $0x4F00;
	s29 =	simm.s32 $0x2780;
	s30 =	simm.s32 $0x4F80  }
0x7: {  	s31 =	simm.s32 $0x0;
	s8 =	sand.u32 $0x1, s3;
	s3 =	rddreg [dreg:$0x3]  }
0x8: {  	s9 =	smul.u32 $0x280, s15;
	[smem:$0x7FF] =	sst s4;
	s6 =	sadd.s32 $0x1A00, s0  }
0x9: {  	s7 =	sadd.s32 $0x16800, s0;
	s14 =	smul.u32 $0x28000, s15;
	s25 =	sshll.u32 s15, $0x6  }
0xa: {  	s5 =	smul.u32 $0x2800, s8;
	s12 =	ssub.s32 $0x2, s8;
	s8 =	sshll.u32 s8, $0x4  }
0xb: {  	_ =	strace $0x80000047;
	s13 =	sshrl.u32 s12, $0x1;
	s8 =	sor.u32 s15, s8  }
0xc: {  	s24 =	sshrl.u32 s14, $0x2;
	s17 =	sadd.s32 s9, s3;
	s15 =	simm.s32 $0x5  }
0xd: {  	s10 =	sadd.s32 s9, s5;
	s5 =	sadd.s32 $0x2E00, s0;
	s23 =	smul.u32 $0x2800, s8  }
0xe: {  	s13 =	ssub.s32 s12, s13;
	s26 =	smul.u32 $0x500, s8;
	s16 =	sadd.s32 s24, s2  }
0xf: {  	s8 =	sor.u32 $0x1C05, s25;
	s24 =	simm.s32 $0x3;
	s25 =	simm.s32 $0x4  }
0x10: {  	s11 =	sshll.u32 s10, $0x3;
	s10 =	sshrl.u32 s10, $0x3;
	s13 =	smax.u32 s13, $0x1  }
0x11: {  	s14 =	sshrl.u32 s16, $0x3;
	s16 =	sshrl.u32 s17, $0x3;
	s11 =	sadd.s32 s11, s0  }
0x12: {  	s0 =	sadd.s32 s10, s0;
	s10 =	sshrl.u32 s23, $0x3;
	s9 =	sadd.s32 s1, s26  }
0x13: {  	s23 =	simm.s32 $0x2;
	s26 =	simm.s32 $0x4E80;
	s1 =	sadd.s32 s1, s10  }
0x14: {  	v0 =	vimm.f32 $1.000000000e+00;
	s11 =	sadd.s32 $0x16A00, s11;
	s12 =	sadd.s32 $0x3EA00, s0;
	s10 =	sadd.s32 $0xA000, s1  }
.LBB2_1:
0x15: {  	[spmem:s14], [sflag:s8] =	dma.local [hbm:s6], $0x1400  }
0x16: {  	_ =	swait.ge [sflag:s15], $0x1400  }
0x17: {  	[sflag:s15] =	ssyncset.done $0x0  }
0x18: {  	[sflag:s15] =	ssyncadd.s32 $0xFFFFEC00  }
0x19: {  	[spmem:s16], [sflag:s8] =	dma.local [hbm:s7], $0x50  }
0x1a: {  	_ =	swait.ge [sflag:s15], $0x50  }
0x1b: {  	[sflag:s15] =	ssyncset.done $0x0  }
0x1c: {  	[sflag:s15] =	ssyncadd.s32 $0xFFFFFFB0  }
0x1d: {  	[tilespmem:$0x9000] =	vst v0  }
0x1e: {  	[tilespmem:$0x9010] =	vst v0  }
0x1f: {  	[tilespmem:$0x9020] =	vst v0  }
0x20: {  	[tilespmem:$0x9030] =	vst v0  }
0x21: {  	[tilespmem:$0x9040] =	vst v0  }
0x22: {  	[tilespmem:$0x9050] =	vst v0  }
0x23: {  	[tilespmem:$0x9060] =	vst v0  }
0x24: {  	[tilespmem:$0x9070] =	vst v0  }
0x25: {  	[tilespmem:s4], [sflag:$0x5] =	stream.linear.gather [hbm4b:s9+s4], $0x2800, $0x38;
	[tilespmem:$0x13300] =	vst v63  }
0x26: {  	_ =	swait.ge [sflag:s15], $0x2800  }
0x27: {  	[sflag:s15] =	ssyncset.done $0x0  }
0x28: {  	s0 =	simm.s32 $0x2800;
	[sflag:s15] =	ssyncadd.s32 $0xFFFFD800  }
0x29: {  	[tilespmem:s0], [sflag:$0x5] =	stream.linear.gather [hbm4b:s10+s4], $0x2800, $0x38;
	[tilespmem:$0x13300] =	vst v63  }
0x2a: {  	_ =	swait.ge [sflag:s15], $0x2800  }
0x2b: {  	[sflag:s15] =	ssyncset.done $0x0  }
0x2c: {  	[sflag:s15] =	ssyncadd.s32 $0xFFFFD800  }
0x2d: {  	[bflag:$0x0] =	sbarrier.arrive $0xFFFF  }
0x2e: {  	[tilespmem:s19], [sflag:$0x1] =	stream.indirect.gather [hbm4b:s5+s18], $0x40, s4, s18, $0xb8;
	[tilespmem:$0x13300] =	vst v63  }
0x2f: {  	_ = 	snop  }
0x30: {  	[tilespmem:s20], [sflag:$0x2] =	stream.indirect.gather [hbm4b:s5+s18], $0x40, s18, s18, $0xb8;
	[tilespmem:$0x13300] =	vst v63  }
0x31: {  	_ =	swait.ge [sflag:s21], $0x2000  }
0x32: {  	[sflag:s21] =	ssyncset.done $0x0  }
0x33: {  	s17 =	simm.s32 $0x2800;
	[sflag:s21] =	ssyncadd.s32 $0xFFFFE000  }
0x34: {  	[spmem:s2] =	stream.indirect.scatter.add.bf16 [tilespmem:s19], [sflag:$0x3], $0x40, s17, s18, $0xb8;
	[tilespmem:$0x13300] =	vst v63  }
0x35: {  	_ = 	snop  }
0x36: {  	[spmem:s3] =	stream.indirect.scatter.add.f32 [tilespmem:s22], [sflag:$0x3], $0x1, s17, s18, $0xb8;
	[tilespmem:$0x13300] =	vst v63  }
0x37: {  	_ =	swait.ge [sflag:s23], $0x2000  }
0x38: {  	[sflag:s23] =	ssyncset.done $0x0  }
0x39: {  	s1 =	simm.s32 $0x2880;
	[sflag:s23] =	ssyncadd.s32 $0xFFFFE000  }
0x3a: {  	[spmem:s2] =	stream.indirect.scatter.add.bf16 [tilespmem:s20], [sflag:$0x4], $0x40, s1, s18, $0xb8;
	[tilespmem:$0x13300] =	vst v63  }
0x3b: {  	_ = 	snop  }
0x3c: {  	[spmem:s3] =	stream.indirect.scatter.add.f32 [tilespmem:s22], [sflag:$0x4], $0x1, s1, s18, $0xb8;
	[tilespmem:$0x13300] =	vst v63  }
0x3d: {  	_ =	swait.ge [sflag:s24], $0x2000  }
0x3e: {  	[sflag:s24] =	ssyncset.done $0x0  }
0x3f: {  	[sflag:s24] =	ssyncadd.s32 $0xFFFFE000  }
0x40: {  	_ =	swait.ge [sflag:s24], $0x80  }
0x41: {  	[sflag:s24] =	ssyncset.done $0x0  }
0x42: {  	s17 =	simm.s32 $0x100;
	[sflag:s24] =	ssyncadd.s32 $0xFFFFFF80  }
0x43: {  	[tilespmem:s19], [sflag:$0x1] =	stream.indirect.gather [hbm4b:s5+s18], $0x40, s17, s18, $0xb8;
	[tilespmem:$0x13300] =	vst v63  }
0x44: {  	_ =	swait.ge [sflag:s25], $0x2000  }
0x45: {  	[sflag:s25] =	ssyncset.done $0x0  }
0x46: {  	[sflag:s25] =	ssyncadd.s32 $0xFFFFE000  }
0x47: {  	_ =	swait.ge [sflag:s25], $0x80  }
0x48: {  	[sflag:s25] =	ssyncset.done $0x0  }
0x49: {  	s0 =	simm.s32 $0x180;
	s1 =	simm.s32 $0x400;
	[sflag:s25] =	ssyncadd.s32 $0xFFFFFF80  }
.LBB2_2:
0x4a: {  	[tilespmem:s20], [sflag:$0x2] =	stream.indirect.gather [hbm4b:s5+s18], $0x40, s0, s18, $0xb8;
	[tilespmem:$0x13300] =	vst v63  }
0x4b: {  	s0 =	smov.u32 s1  }
0x4c: {  	p0 =	sne.s32 s1, $0x9800;
	s1 =	sadd.s32 $0x400, s1;
	_ =	swait.ge [sflag:s21], $0x2000  }
0x4d: {  	s0 =	sshra.s32 s0, $0x2;
	[sflag:s21] =	ssyncset.done $0x0  }
0x4e: {  	s17 =	sadd.s32 $0x2800, s0;
	[sflag:s21] =	ssyncadd.s32 $0xFFFFE000  }
0x4f: {  	[spmem:s2] =	stream.indirect.scatter.add.bf16 [tilespmem:s19], [sflag:$0x3], $0x40, s17, s18, $0xb8;
	[tilespmem:$0x13300] =	vst v63  }
0x50: {  	_ = 	snop  }
0x51: {  	[spmem:s3] =	stream.indirect.scatter.add.f32 [tilespmem:s22], [sflag:$0x3], $0x1, s17, s18, $0xb8;
	[tilespmem:$0x13300] =	vst v63  }
0x52: {  	_ =	swait.ge [sflag:s23], $0x2000  }
0x53: {  	[sflag:s23] =	ssyncset.done $0x0  }
0x54: {  	s17 =	sadd.s32 $0x2880, s0;
	[sflag:s23] =	ssyncadd.s32 $0xFFFFE000  }
0x55: {  	[spmem:s2] =	stream.indirect.scatter.add.bf16 [tilespmem:s20], [sflag:$0x4], $0x40, s17, s18, $0xb8;
	[tilespmem:$0x13300] =	vst v63  }
0x56: {  	_ = 	snop  }
0x57: {  	[spmem:s3] =	stream.indirect.scatter.add.f32 [tilespmem:s22], [sflag:$0x4], $0x1, s17, s18, $0xb8;
	[tilespmem:$0x13300] =	vst v63  }
0x58: {  	_ =	swait.ge [sflag:s24], $0x2000  }
0x59: {  	[sflag:s24] =	ssyncset.done $0x0  }
0x5a: {  	[sflag:s24] =	ssyncadd.s32 $0xFFFFE000  }
0x5b: {  	_ =	swait.ge [sflag:s24], $0x80  }
0x5c: {  	[sflag:s24] =	ssyncset.done $0x0  }
0x5d: {  	s17 =	sadd.s32 $0x100, s0;
	[sflag:s24] =	ssyncadd.s32 $0xFFFFFF80  }
0x5e: {  	[tilespmem:s19], [sflag:$0x1] =	stream.indirect.gather [hbm4b:s5+s18], $0x40, s17, s18, $0xb8;
	[tilespmem:$0x13300] =	vst v63  }
0x5f: {  	_ =	swait.ge [sflag:s25], $0x2000  }
.Ltmp0:
0x60: {  	[sflag:s25] =	ssyncset.done $0x0;
	(pc) =	sbr.rel @p0 .LBB2_2-.Ltmp0, $4  }
0x61: {  	[sflag:s25] =	ssyncadd.s32 $0xFFFFE000  }
0x62: {  	_ =	swait.ge [sflag:s25], $0x80  }
0x63: {  	[sflag:s25] =	ssyncset.done $0x0  }
0x64: {  	s0 =	sadd.s32 $0x180, s0;
	[sflag:s25] =	ssyncadd.s32 $0xFFFFFF80  }
0x65: {  	[tilespmem:s20], [sflag:$0x2] =	stream.indirect.gather [hbm4b:s5+s18], $0x40, s0, s18, $0xb8;
	[tilespmem:$0x13300] =	vst v63  }
0x66: {  	_ =	swait.ge [sflag:s21], $0x2000  }
0x67: {  	[sflag:s21] =	ssyncset.done $0x0  }
0x68: {  	[sflag:s21] =	ssyncadd.s32 $0xFFFFE000  }
0x69: {  	[spmem:s2] =	stream.indirect.scatter.add.bf16 [tilespmem:s19], [sflag:$0x3], $0x40, s26, s18, $0xb8;
	[tilespmem:$0x13300] =	vst v63  }
0x6a: {  	_ = 	snop  }
0x6b: {  	[spmem:s3] =	stream.indirect.scatter.add.f32 [tilespmem:s22], [sflag:$0x3], $0x1, s26, s18, $0xb8;
	[tilespmem:$0x13300] =	vst v63  }
0x6c: {  	_ =	swait.ge [sflag:s23], $0x2000  }
0x6d: {  	[sflag:s23] =	ssyncset.done $0x0  }
0x6e: {  	[sflag:s23] =	ssyncadd.s32 $0xFFFFE000  }
0x6f: {  	[spmem:s2] =	stream.indirect.scatter.add.bf16 [tilespmem:s20], [sflag:$0x4], $0x40, s28, s18, $0xb8;
	[tilespmem:$0x13300] =	vst v63  }
0x70: {  	_ = 	snop  }
0x71: {  	[spmem:s3] =	stream.indirect.scatter.add.f32 [tilespmem:s22], [sflag:$0x4], $0x1, s28, s18, $0xb8;
	[tilespmem:$0x13300] =	vst v63  }
0x72: {  	_ =	swait.ge [sflag:s24], $0x2000  }
0x73: {  	[sflag:s24] =	ssyncset.done $0x0  }
0x74: {  	[sflag:s24] =	ssyncadd.s32 $0xFFFFE000  }
0x75: {  	_ =	swait.ge [sflag:s24], $0x80  }
0x76: {  	[sflag:s24] =	ssyncset.done $0x0  }
0x77: {  	[sflag:s24] =	ssyncadd.s32 $0xFFFFFF80  }
0x78: {  	[tilespmem:s19], [sflag:$0x1] =	stream.indirect.gather [hbm4b:s5+s18], $0x40, s29, s18, $0xb8;
	[tilespmem:$0x13300] =	vst v63  }
0x79: {  	_ =	swait.ge [sflag:s21], $0x2000  }
0x7a: {  	[sflag:s21] =	ssyncset.done $0x0  }
0x7b: {  	[sflag:s21] =	ssyncadd.s32 $0xFFFFE000  }
0x7c: {  	[spmem:s2] =	stream.indirect.scatter.add.bf16 [tilespmem:s19], [sflag:$0x3], $0x40, s30, s18, $0xb8;
	[tilespmem:$0x13300] =	vst v63  }
0x7d: {  	_ = 	snop  }
0x7e: {  	[spmem:s3] =	stream.indirect.scatter.add.f32 [tilespmem:s22], [sflag:$0x3], $0x1, s30, s18, $0xb8;
	[tilespmem:$0x13300] =	vst v63  }
0x7f: {  	_ =	swait.ge [sflag:s25], $0x2000  }
0x80: {  	[sflag:s25] =	ssyncset.done $0x0  }
0x81: {  	[sflag:s25] =	ssyncadd.s32 $0xFFFFE000  }
0x82: {  	_ =	swait.ge [sflag:s25], $0x80  }
0x83: {  	[sflag:s25] =	ssyncset.done $0x0  }
0x84: {  	[sflag:s25] =	ssyncadd.s32 $0xFFFFFF80  }
0x85: {  	_ =	swait.ge [sflag:s24], $0x2000  }
0x86: {  	[sflag:s24] =	ssyncset.done $0x0  }
0x87: {  	[sflag:s24] =	ssyncadd.s32 $0xFFFFE000  }
0x88: {  	_ =	swait.ge [sflag:s24], $0x80  }
0x89: {  	[sflag:s24] =	ssyncset.done $0x0  }
0x8a: {  	[sflag:s24] =	ssyncadd.s32 $0xFFFFFF80  }
0x8b: {  	[bflag:$0x0] =	sbarrier.arrive $0xFFFF  }
0x8c: {  	[hbm:s11], [sflag:s8] =	dma.local [spmem:s14], $0x1400  }
0x8d: {  	s31 =	sadd.s32 $0x1, s31;
	_ =	swait.ge [sflag:s15], $0x1400  }
0x8e: {  	p0 =	sne.s32 s31, s13;
	[sflag:s15] =	ssyncset.done $0x0  }
.Ltmp1:
0x8f: {  	[sflag:s15] =	ssyncadd.s32 $0xFFFFEC00;
	(pc) =	sbr.rel @p0 .LBB2_1-.Ltmp1, $4  }
0x90: {  	[hbm:s12], [sflag:s8] =	dma.local [spmem:s16], $0x50  }
0x91: {  	_ =	swait.ge [sflag:s15], $0x50  }
0x92: {  	[sflag:s15] =	ssyncset.done $0x0  }
0x93: {  	[sflag:s15] =	ssyncadd.s32 $0xFFFFFFB0  }
0x94: {  	_ =	sfence.sel $0x180000  }
0x95: {  	[bflag:$0x0] =	sbarrier.arrive $0xFFFF  }
0x96: {  	_ =	strace $0x90000047  }
0x97: {  	s0 =	stileid.u32;
	[bflag:$0x2] =	sbarrier.arrive $0xFFFF  }
0x98: {  	p0 =	sne.s32 s0, $0x0;
	s0 =	rddreg [dreg:$0x4]  }
0x99: {  	s0 =	sadd.s32 @!p0 $0x100000, s0  }
0x9a: {  	[sflag:s0] =	ssyncadd.tile.s32 @!p0 $0x1;
	_ =	shalt  }
.Lfunc_end2:
_tile_overlayer_lowered:
.L_overlay_start_2:
0x9b: {  	(tag) =	ssettag $0x2  }
0x9c: {  	s0 =	rddreg [dreg:$0x0];
	s2 =	stileid.u32  }
0x9d: {  	s1 =	rddreg [dreg:$0x1];
	p0 =	sne.s32 s2, $0x0  }
0x9e: {  	s3 =	rddreg [dreg:$0x2];
	[bflag:$0x3] =	sbarrier.arrive $0xFFFF;
	s2 =	simm.s32 @!p0 $0x1C05  }
0x9f: {  	[timem:s3], [sflag:s2] =	dma.local @!p0 [hbm:s0], s1  }
0xa0: {  	s0 =	simm.s32 @!p0 $0x5  }
0xa1: {  	_ =	swait.ge @!p0 [sflag:s0], s1  }
0xa2: {  	s1 =	ssub.s32 @!p0 $0x0, s1;
	[sflag:s0] =	ssyncset.done @!p0 $0x0  }
0xa3: {  	[sflag:s0] =	ssyncadd.s32 @!p0 s1  }
0xa4: {  	[bflag:$0x3] =	sbarrier.arrive $0xFFFF  }
0xa5: {  	_ =	shalt  }

// kernel: kernel.9.cloned.1.call-start
scs
__scs_entry_jumppad:
0x0: {  	(pc) =	sbr.rel $0x88, $3  }
0x1: {  	(tag) =	ssettag $0x0;
	lr =	simm.s32 $0x1  }
0x2: {  	[smem:$0x3F99] =	sst lr;
	_ =	strace $0xD0000000  }
0x3: {  	_ = 	snop  }
0x4: {  	_ = 	snop  }
0x5: {  	_ = 	snop  }
0x6: {  	_ = 	snop  }
0x7: {  	_ = 	snop  }
__scs_overlays_trampoline_lowered:
0x8: {  	[smem:$0x3FA8] =	sst s0  }
0x9: {  	[smem:$0x3FA9] =	sst s1  }
0xa: {  	[smem:$0x3FAA] =	sst s2  }
0xb: {  	[smem:$0x3FAB] =	sst s3  }
0xc: {  	[smem:$0x3FAC] =	sst s4  }
0xd: {  	[smem:$0x3FAD] =	sst s5  }
0xe: {  	[smem:$0x3FAE] =	sst s6  }
0xf: {  	[smem:$0x3FAF] =	sst s7  }
0x10: {  	[smem:$0x3FB0] =	sst s8  }
0x11: {  	[smem:$0x3FB1] =	sst s9;
	s0 =	simm.s32 @!p0 $0x0  }
0x12: {  	s1 =	sld [smem:$0x3F97];
	s0 =	simm.s32 @p0 $0x1  }
0x13: {  	[smem:$0x3FB2] =	sst s0;
	s0 =	simm.s32 @!p1 $0x0  }
0x14: {  	s2 =	sld [smem:$0x3F96];
	s0 =	simm.s32 @p1 $0x1  }
0x15: {  	[smem:$0x3FB3] =	sst s0;
	s0 =	simm.s32 @!p2 $0x0  }
0x16: {  	s3 =	sld [smem:$0x3FDB];
	s0 =	simm.s32 @p2 $0x1  }
0x17: {  	s4 =	simm.s32 $0x1BF5;
	[smem:$0x3FB5] =	sst s0  }
0x18: {  	s0 =	sld [smem:$0x3F98];
	_ =	swait.ge [sflag:s4], $0x0  }
0x19: {  	s7 =	sld [smem:$0x3F99]  }
0x1a: {  	s8 =	sadd.s32 $0xFFFFE003, lr  }
0x1b: {  	s9 =	sadd.s32 $0xFFFFFEF7, lr;
	s5 =	simm.s32 $0xFFFFFFFF;
	p2 =	slt.u32 s8, $0xFFFFF086  }
0x1c: {  	p1 =	slt.u32 s9, $0xF7A;
	s5 =	simm.s32 @!p2 $0x0  }
0x1d: {  	s5 =	simm.s32 @p1 $0x1;
	p0 =	seq.s32 s7, s2  }
0x1e: {  	s7 =	smul.u32 @!p0 $0xF7A, s2;
	p2 =	seq.s32 @!p0 s5, $0x0  }
0x1f: {  	s9 =	smul.u32 $0xF7A, s1;
	s8 =	simm.s32 @!p0 $0x1BF5;
	p2 =	por !p2, p0  }
0x20: {  	[sflag:s8] =	ssyncset.s32 @!p0 $0xFFFFF086;
	s6 =	sadd.s32 @!p0 s3, s7;
	s7 =	simm.s32 @!p0 $0x108  }
0x21: {  	s3 =	sadd.s32 s3, s9;
	s6 =	sadd.s32 @!p0 $0x88, s6;
	s7 =	simm.s32 @p2 $0x1082  }
0x22: {  	[simem:s7], [sflag:s8] =	dma.local @!p0 [hbm:s6], $0xF7A  }
0x23: {  	s9 =	sor.u32 $0xD0000000, s2;
	s6 =	simm.s32 $0x108;
	_ =	swait.ge @!p0 [sflag:s8], $0x0  }
0x24: {  	s3 =	sadd.s32 $0x88, s3;
	s6 =	simm.s32 @!p1 $0x1082;
	[sflag:s4] =	ssyncset.s32 $0xFFFFF086  }
0x25: {  	[simem:s6], [sflag:s4] =	dma.local [hbm:s3], $0xF7A  }
0x26: {  	[smem:$0x3F99] =	sst s1;
	(tag) =	ssettag s2;
	_ =	strace s9  }
0x27: {  	s1 =	sld [smem:$0x3FA9]  }
0x28: {  	s2 =	sld [smem:$0x3FAA]  }
0x29: {  	s4 =	sld [smem:$0x3FAC]  }
0x2a: {  	p0 =	seq.s32 s5, $0x0;
	s5 =	sld [smem:$0x3FAD]  }
0x2b: {  	s6 =	sld [smem:$0x3FAE]  }
0x2c: {  	s7 =	sld [smem:$0x3FAF]  }
0x2d: {  	s3 =	simm.s32 $0x108;
	s8 =	sld [smem:$0x3FB0]  }
0x2e: {  	s3 =	simm.s32 @!p0 $0x1082;
	s9 =	sld [smem:$0x3FB1]  }
0x2f: {  	lr =	sadd.s32 s0, s3;
	s0 =	sld [smem:$0x3FA8]  }
0x30: {  	s3 =	sld [smem:$0x3FAB]  }
0x31: {  	[smem:$0x3FB4] =	sst s10  }
0x32: {  	s10 =	sld [smem:$0x3FB2];
	_ =	sdelay $0x3  }
0x33: {  	p0 =	seq.s32 s10, $0x1;
	s10 =	sld [smem:$0x3FB4];
	_ =	sdelay $0x3  }
0x34: {  	[smem:$0x3FB4] =	sst s10  }
0x35: {  	s10 =	sld [smem:$0x3FB3];
	_ =	sdelay $0x3  }
0x36: {  	p1 =	seq.s32 s10, $0x1;
	s10 =	sld [smem:$0x3FB4];
	_ =	sdelay $0x3  }
0x37: {  	[smem:$0x3FB4] =	sst s10  }
0x38: {  	s10 =	sld [smem:$0x3FB5]  }
0x39: {  	_ = 	snop;
	(pc) =	sbr.ind lr, $3  }
0x3a: {  	_ = 	snop  }
0x3b: {  	_ = 	snop  }
0x3c: {  	p2 =	seq.s32 s10, $0x1;
	s10 =	sld [smem:$0x3FB4]  }
0x3d: {  	_ =	shalt  }
0x3e: {  	_ =	shalt  }
0x3f: {  	_ =	shalt  }
0x40: {  	_ =	shalt  }
0x41: {  	_ =	shalt  }
0x42: {  	_ =	shalt  }
0x43: {  	_ =	shalt  }
0x44: {  	_ =	shalt  }
0x45: {  	_ =	shalt  }
0x46: {  	_ =	shalt  }
0x47: {  	_ =	shalt  }
0x48: {  	_ =	shalt  }
0x49: {  	_ =	shalt  }
0x4a: {  	_ =	shalt  }
0x4b: {  	_ =	shalt  }
0x4c: {  	_ =	shalt  }
0x4d: {  	_ =	shalt  }
0x4e: {  	_ =	shalt  }
0x4f: {  	_ =	shalt  }
0x50: {  	_ =	shalt  }
0x51: {  	_ =	shalt  }
0x52: {  	_ =	shalt  }
0x53: {  	_ =	shalt  }
0x54: {  	_ =	shalt  }
0x55: {  	_ =	shalt  }
0x56: {  	_ =	shalt  }
0x57: {  	_ =	shalt  }
0x58: {  	_ =	shalt  }
0x59: {  	_ =	shalt  }
0x5a: {  	_ =	shalt  }
0x5b: {  	_ =	shalt  }
0x5c: {  	_ =	shalt  }
0x5d: {  	_ =	shalt  }
0x5e: {  	_ =	shalt  }
0x5f: {  	_ =	shalt  }
0x60: {  	_ =	shalt  }
0x61: {  	_ =	shalt  }
0x62: {  	_ =	shalt  }
0x63: {  	_ =	shalt  }
0x64: {  	_ =	shalt  }
0x65: {  	_ =	shalt  }
0x66: {  	_ =	shalt  }
0x67: {  	_ =	shalt  }
0x68: {  	_ =	shalt  }
0x69: {  	_ =	shalt  }
0x6a: {  	_ =	shalt  }
0x6b: {  	_ =	shalt  }
0x6c: {  	_ =	shalt  }
0x6d: {  	_ =	shalt  }
0x6e: {  	_ =	shalt  }
0x6f: {  	_ =	shalt  }
0x70: {  	_ =	shalt  }
0x71: {  	_ =	shalt  }
0x72: {  	_ =	shalt  }
0x73: {  	_ =	shalt  }
0x74: {  	_ =	shalt  }
0x75: {  	_ =	shalt  }
0x76: {  	_ =	shalt  }
0x77: {  	_ =	shalt  }
0x78: {  	_ =	shalt  }
0x79: {  	_ =	shalt  }
0x7a: {  	_ =	shalt  }
0x7b: {  	_ =	shalt  }
0x7c: {  	_ =	shalt  }
0x7d: {  	_ =	shalt  }
0x7e: {  	_ =	shalt  }
0x7f: {  	_ =	shalt  }
0x80: {  	_ =	shalt  }
0x81: {  	_ =	shalt  }
0x82: {  	_ =	shalt  }
0x83: {  	_ =	shalt  }
0x84: {  	_ =	shalt  }
0x85: {  	_ =	shalt  }
0x86: {  	_ =	shalt  }
0x87: {  	_ =	shalt  }
.Lfunc_end0:
.L_simem_size_0:
called_computation.1_lowered:
.L_overlay_start_0:
0x88: {  	s2 =	sld [smem:$0x3FD9]  }
0x89: {  	s3 =	sld [smem:$0x3FFE];
	_ =	sdelay $0x1  }
0x8a: {  	s1 =	srdreg.scid  }
0x8b: {  	s0 =	sand.u32 $0x1, s1  }
0x8c: {  	s17 =	sshll.u32 s0, $0xA;
	s2 =	sadd.s32 s3, s2  }
0x8d: {  	s2 =	sadd.s32 s2, s17  }
0x8e: {  	[smem:$0x3FC0] =	sst s2  }
0x8f: {  	_ = 	snop  }
0x90: {  	s2 =	sld [smem:$0x3FD0];
	(tm) =	ssettm $0x1  }
0x91: {  	s18 =	sld [smem:$0x3FFB];
	_ =	sdelay $0x3  }
0x92: {  	_ =	strace s18  }
0x93: {  	s3 =	sld [smem:$0x3FFC];
	_ =	sdelay $0x3  }
0x94: {  	_ =	strace s3  }
0x95: {  	s3 =	sld [smem:$0x3FFD];
	_ =	sdelay $0x3  }
0x96: {  	_ =	strace s3  }
0x97: {  	_ =	strace $0x8FFFFFFF  }
0x98: {  	s19 =	sld [smem:$0x3FDB];
	_ =	sdelay $0x1  }
0x99: {  	s4 =	simm.s32 $_scs_section_size  }
0x9a: {  	s5 =	simm.s32 $_size__tile_overlayer_lowered;
	s6 =	simm.s32 $_tile_overlayer_lowered  }
0x9b: {  	s22 =	simm.s32 $0x1BFF;
	s21 =	sshll.u32 s6, $0x1;
	s3 =	sadd.s32 s4, s19  }
0x9c: {  	s7 =	simm.s32 $0x0;
	s20 =	sshll.u32 s5, $0x1;
	s5 =	sadd.s32 s21, s3  }
0x9d: {  	[timem:s7], [sflag:s22] =	dma.local [hbm:s5], s20  }
0x9e: {  	_ =	swait.ge [sflag:s22], s20  }
0x9f: {  	s4 =	ssub.s32 $0x0, s20;
	[sflag:s22] =	ssyncset.done $0x0  }
0xa0: {  	[sflag:s22] =	ssyncadd.s32 s4;
	_ =	sdelay $0x1  }
0xa1: {  	s23 =	simm.s32 $0x1B8B  }
0xa2: {  	_ =	swait.ge [sflag:s23], $0x1  }
0xa3: {  	[sflag:s23] =	ssyncset.done $0x0  }
0xa4: {  	s25 =	simm.s32 $0x1B8E;
	s24 =	sld [smem:$0x3FFE];
	[sflag:s23] =	ssyncadd.s32 $0xFFFFFFFF  }
0xa5: {  	s26 =	simm.s32 $execute0_lowered;
	[smem:$0x3FD2] =	sst s25  }
0xa6: {  	s5 =	sshll.u32 s26, $0x1;
	_ =	strace $0x80000049;
	[dreg:$0x1] =	wrdreg $0xFFFFFFFF  }
0xa7: {  	s28 =	simm.s32 $_size_execute0_lowered;
	s3 =	sadd.s32 s3, s5;
	[dreg:$0x0] =	wrdreg $0x0  }
0xa8: {  	s5 =	sshll.u32 s28, $0x1;
	[dreg:$0x2] =	wrdreg s3  }
0xa9: {  	[dreg:$0x3] =	wrdreg s5  }
0xaa: {  	[dreg:$0x4] =	wrdreg $0xC0  }
0xab: {  	_ =	task [dreg:s7], $0x5FFFF  }
0xac: {  	[dreg:$0x1] =	wrdreg $0xFFFFFFFF  }
0xad: {  	[dreg:$0x0] =	wrdreg $0x60  }
0xae: {  	[dreg:$0x2] =	wrdreg s24  }
0xaf: {  	[dreg:$0x3] =	wrdreg s2  }
0xb0: {  	[dreg:$0x4] =	wrdreg $0x90000  }
0xb1: {  	[dreg:$0x5] =	wrdreg $0x9  }
0xb2: {  	_ =	task.clear_ibuf [dreg:s7], $0x6FFFF;
	_ =	strace $0x90000049  }
0xb3: {  	s29 =	simm.s32 $0x9;
	_ =	strace $0x8000004B  }
0xb4: {  	_ =	swait.ge [sflag:s29], $0x1  }
0xb5: {  	[sflag:s29] =	ssyncadd.s32 $0xFFFFFFFF  }
0xb6: {  	_ =	strace $0x9000004B  }
0xb7: {  	_ =	sfence  }
0xb8: {  	s30 =	sld [smem:$0x0];
	_ =	sdelay $0x2  }
0xb9: {  	s31 =	sshll.u32 s1, $0xD;
	s1 =	sshrl.u32 s1, $0x2  }
0xba: {  	s3 =	sand.u32 $0x4000, s31;
	s1 =	sadd.s32 s1, s30  }
0xbb: {  	s0 =	sor.u32 s3, s0;
	s1 =	sshll.u32 s1, $0x11  }
0xbc: {  	s0 =	sor.u32 s1, s0  }
0xbd: {  	s0 =	sadd.s32 $0x8F2B, s0  }
0xbe: {  	[sflag:s0] =	ssyncadd.remote.s32 $0x1  }
0xbf: {  	_ =	sfence.sel $0xFFFF  }
0xc0: {  	[dreg:$0x0] =	wrdreg $0xFFFFFFFF;
	(pc) =	sbr.abs _section_cstart, $3  }
0xc1: {  	[dreg:$0x1] =	wrdreg $0xFFFFFFFF  }
0xc2: {  	_ =	task.clear_ibuf [dreg:s7], $0x2FFFF;
	_ =	strace $0x9FFFFFFF  }
0xc3: {  	(tm) =	ssettm $0x7FFFFFFF  }
tec
execute0_lowered:
.L_overlay_start_1:
0x0: {  	(tag) =	ssettag $0x1  }
0x1: {  	s6 =	rddreg [dreg:$0x0]  }
0x2: {  	s8 =	rddreg [dreg:$0x1]  }
0x3: {  	s2 =	rddreg [dreg:$0x2]  }
0x4: {  	s0 =	rddreg [dreg:$0x3]  }
0x5: {  	s4 =	srdreg.scid;
	s1 =	stileid.u32;
	s3 =	simm.s32 $0x0  }
0x6: {  	s14 =	simm.s32 $0x80;
	s15 =	simm.s32 $0x5000;
	s16 =	simm.s32 $0x7000  }
0x7: {  	s17 =	simm.s32 $0x1;
	s18 =	simm.s32 $0x2;
	s19 =	simm.s32 $0x3  }
0x8: {  	s20 =	simm.s32 $0x4;
	s21 =	simm.s32 $0x4E80;
	s22 =	simm.s32 $0x4F00  }
0x9: {  	s23 =	simm.s32 $0x2780;
	s24 =	simm.s32 $0x4F80;
	s7 =	sand.u32 $0x1, s4  }
0xa: {  	s9 =	smul.u32 $0x1400, s1;
	[smem:$0x7FF] =	sst s3;
	s4 =	sadd.s32 $0x16A00, s6  }
0xb: {  	s5 =	sadd.s32 $0x1A00, s6;
	s11 =	smul.u32 $0x28000, s1;
	s30 =	sshll.u32 s1, $0x6  }
0xc: {  	s10 =	smul.u32 $0x14000, s7;
	s25 =	sshll.u32 s7, $0x4;
	s7 =	ssub.s32 $0x2, s7  }
0xd: {  	_ =	strace $0x8000004A;
	s26 =	sshrl.u32 s7, $0x1;
	s28 =	sshrl.u32 s11, $0x2  }
0xe: {  	s9 =	sadd.s32 s9, s10;
	s10 =	sor.u32 s1, s25;
	s13 =	ssub.s32 s7, s26  }
0xf: {  	s11 =	sadd.s32 s28, s2;
	s25 =	simm.s32 $0x0;
	s12 =	smul.u32 $0x2800, s10  }
0x10: {  	s9 =	sadd.s32 s9, s6;
	s29 =	smul.u32 $0x500, s10;
	s6 =	sor.u32 $0x1C05, s30  }
0x11: {  	s10 =	smax.u32 s13, $0x1;
	s11 =	sshrl.u32 s11, $0x3;
	s31 =	sshrl.u32 s12, $0x3  }
0x12: {  	s13 =	simm.s32 $0x2800;
	s7 =	sadd.s32 s8, s29;
	s8 =	sadd.s32 s8, s31  }
0x13: {  	s9 =	sadd.s32 $0x2AA00, s9;
	s12 =	simm.s32 $0x5;
	s8 =	sadd.s32 $0xA000, s8  }
.LBB2_1:
0x14: {  	[spmem:s11], [sflag:s6] =	dma.local [hbm:s5], $0x1400  }
0x15: {  	_ =	swait.ge [sflag:s12], $0x1400  }
0x16: {  	[sflag:s12] =	ssyncset.done $0x0  }
0x17: {  	[sflag:s12] =	ssyncadd.s32 $0xFFFFEC00  }
0x18: {  	[tilespmem:s3], [sflag:$0x5] =	stream.linear.gather [hbm4b:s7+s3], $0x2800, $0x38;
	[tilespmem:$0x13000] =	vst v63  }
0x19: {  	_ =	swait.ge [sflag:s12], $0x2800  }
0x1a: {  	[sflag:s12] =	ssyncset.done $0x0  }
0x1b: {  	[sflag:s12] =	ssyncadd.s32 $0xFFFFD800  }
0x1c: {  	[tilespmem:s13], [sflag:$0x5] =	stream.linear.gather [hbm4b:s8+s3], $0x2800, $0x38;
	[tilespmem:$0x13000] =	vst v63  }
0x1d: {  	_ =	swait.ge [sflag:s12], $0x2800  }
0x1e: {  	[sflag:s12] =	ssyncset.done $0x0  }
0x1f: {  	[sflag:s12] =	ssyncadd.s32 $0xFFFFD800  }
0x20: {  	[bflag:$0x0] =	sbarrier.arrive $0xFFFF  }
0x21: {  	[tilespmem:s15], [sflag:$0x1] =	stream.indirect.gather [hbm4b:s4+s14], $0x40, s3, s14, $0xb8;
	[tilespmem:$0x13000] =	vst v63  }
0x22: {  	_ = 	snop  }
0x23: {  	[tilespmem:s16], [sflag:$0x2] =	stream.indirect.gather [hbm4b:s4+s14], $0x40, s14, s14, $0xb8;
	[tilespmem:$0x13000] =	vst v63  }
0x24: {  	_ =	swait.ge [sflag:s17], $0x2000  }
0x25: {  	[sflag:s17] =	ssyncset.done $0x0  }
0x26: {  	s26 =	simm.s32 $0x2800;
	[sflag:s17] =	ssyncadd.s32 $0xFFFFE000  }
0x27: {  	[spmem:s2] =	stream.indirect.scatter.add.bf16 [tilespmem:s15], [sflag:$0x3], $0x40, s26, s14, $0xb8;
	[tilespmem:$0x13000] =	vst v63  }
0x28: {  	_ =	swait.ge [sflag:s18], $0x2000  }
0x29: {  	[sflag:s18] =	ssyncset.done $0x0  }
0x2a: {  	s30 =	simm.s32 $0x2880;
	[sflag:s18] =	ssyncadd.s32 $0xFFFFE000  }
0x2b: {  	[spmem:s2] =	stream.indirect.scatter.add.bf16 [tilespmem:s16], [sflag:$0x4], $0x40, s30, s14, $0xb8;
	[tilespmem:$0x13000] =	vst v63  }
0x2c: {  	_ =	swait.ge [sflag:s19], $0x2000  }
0x2d: {  	[sflag:s19] =	ssyncset.done $0x0  }
0x2e: {  	s31 =	simm.s32 $0x100;
	[sflag:s19] =	ssyncadd.s32 $0xFFFFE000  }
0x2f: {  	[tilespmem:s15], [sflag:$0x1] =	stream.indirect.gather [hbm4b:s4+s14], $0x40, s31, s14, $0xb8;
	[tilespmem:$0x13000] =	vst v63  }
0x30: {  	_ =	swait.ge [sflag:s20], $0x2000  }
0x31: {  	[sflag:s20] =	ssyncset.done $0x0  }
0x32: {  	s28 =	simm.s32 $0x180;
	s26 =	simm.s32 $0x400;
	[sflag:s20] =	ssyncadd.s32 $0xFFFFE000  }
.LBB2_2:
0x33: {  	[tilespmem:s16], [sflag:$0x2] =	stream.indirect.gather [hbm4b:s4+s14], $0x40, s28, s14, $0xb8;
	[tilespmem:$0x13000] =	vst v63  }
0x34: {  	s28 =	smov.u32 s26  }
0x35: {  	p0 =	sne.s32 s26, $0x9800;
	s26 =	sadd.s32 $0x400, s26;
	_ =	swait.ge [sflag:s17], $0x2000  }
0x36: {  	s28 =	sshra.s32 s28, $0x2;
	[sflag:s17] =	ssyncset.done $0x0  }
0x37: {  	s29 =	sadd.s32 $0x2800, s28;
	[sflag:s17] =	ssyncadd.s32 $0xFFFFE000  }
0x38: {  	[spmem:s2] =	stream.indirect.scatter.add.bf16 [tilespmem:s15], [sflag:$0x3], $0x40, s29, s14, $0xb8;
	[tilespmem:$0x13000] =	vst v63  }
0x39: {  	_ =	swait.ge [sflag:s18], $0x2000  }
0x3a: {  	[sflag:s18] =	ssyncset.done $0x0  }
0x3b: {  	s29 =	sadd.s32 $0x2880, s28;
	[sflag:s18] =	ssyncadd.s32 $0xFFFFE000  }
0x3c: {  	[spmem:s2] =	stream.indirect.scatter.add.bf16 [tilespmem:s16], [sflag:$0x4], $0x40, s29, s14, $0xb8;
	[tilespmem:$0x13000] =	vst v63  }
0x3d: {  	_ =	swait.ge [sflag:s19], $0x2000  }
0x3e: {  	[sflag:s19] =	ssyncset.done $0x0  }
.Ltmp0:
0x3f: {  	s29 =	sadd.s32 $0x100, s28;
	[sflag:s19] =	ssyncadd.s32 $0xFFFFE000;
	(pc) =	sbr.rel @p0 .LBB2_2-.Ltmp0, $4  }
0x40: {  	[tilespmem:s15], [sflag:$0x1] =	stream.indirect.gather [hbm4b:s4+s14], $0x40, s29, s14, $0xb8;
	[tilespmem:$0x13000] =	vst v63  }
0x41: {  	_ =	swait.ge [sflag:s20], $0x2000  }
0x42: {  	[sflag:s20] =	ssyncset.done $0x0  }
0x43: {  	s28 =	sadd.s32 $0x180, s28;
	[sflag:s20] =	ssyncadd.s32 $0xFFFFE000  }
0x44: {  	[tilespmem:s16], [sflag:$0x2] =	stream.indirect.gather [hbm4b:s4+s14], $0x40, s28, s14, $0xb8;
	[tilespmem:$0x13000] =	vst v63  }
0x45: {  	_ =	swait.ge [sflag:s17], $0x2000  }
0x46: {  	[sflag:s17] =	ssyncset.done $0x0  }
0x47: {  	[sflag:s17] =	ssyncadd.s32 $0xFFFFE000  }
0x48: {  	[spmem:s2] =	stream.indirect.scatter.add.bf16 [tilespmem:s15], [sflag:$0x3], $0x40, s21, s14, $0xb8;
	[tilespmem:$0x13000] =	vst v63  }
0x49: {  	_ =	swait.ge [sflag:s18], $0x2000  }
0x4a: {  	[sflag:s18] =	ssyncset.done $0x0  }
0x4b: {  	[sflag:s18] =	ssyncadd.s32 $0xFFFFE000  }
0x4c: {  	[spmem:s2] =	stream.indirect.scatter.add.bf16 [tilespmem:s16], [sflag:$0x4], $0x40, s22, s14, $0xb8;
	[tilespmem:$0x13000] =	vst v63  }
0x4d: {  	_ =	swait.ge [sflag:s19], $0x2000  }
0x4e: {  	[sflag:s19] =	ssyncset.done $0x0  }
0x4f: {  	[sflag:s19] =	ssyncadd.s32 $0xFFFFE000  }
0x50: {  	[tilespmem:s15], [sflag:$0x1] =	stream.indirect.gather [hbm4b:s4+s14], $0x40, s23, s14, $0xb8;
	[tilespmem:$0x13000] =	vst v63  }
0x51: {  	_ =	swait.ge [sflag:s17], $0x2000  }
0x52: {  	[sflag:s17] =	ssyncset.done $0x0  }
0x53: {  	[sflag:s17] =	ssyncadd.s32 $0xFFFFE000  }
0x54: {  	[spmem:s2] =	stream.indirect.scatter.add.bf16 [tilespmem:s15], [sflag:$0x3], $0x40, s24, s14, $0xb8;
	[tilespmem:$0x13000] =	vst v63  }
0x55: {  	_ =	swait.ge [sflag:s20], $0x2000  }
0x56: {  	[sflag:s20] =	ssyncset.done $0x0  }
0x57: {  	[sflag:s20] =	ssyncadd.s32 $0xFFFFE000  }
0x58: {  	_ =	swait.ge [sflag:s19], $0x2000  }
0x59: {  	s25 =	sadd.s32 $0x1, s25;
	[sflag:s19] =	ssyncset.done $0x0  }
0x5a: {  	p0 =	sne.s32 s25, s10;
	[sflag:s19] =	ssyncadd.s32 $0xFFFFE000  }
.Ltmp1:
0x5b: {  	[bflag:$0x0] =	sbarrier.arrive $0xFFFF;
	(pc) =	sbr.rel @p0 .LBB2_1-.Ltmp1, $4  }
0x5c: {  	[hbm:s9], [sflag:s6] =	dma.local [spmem:s11], $0x1400  }
0x5d: {  	_ =	swait.ge [sflag:s12], $0x1400  }
0x5e: {  	[sflag:s12] =	ssyncset.done $0x0  }
0x5f: {  	[sflag:s12] =	ssyncadd.s32 $0xFFFFEC00  }
0x60: {  	_ =	sfence.sel $0x180000  }
0x61: {  	[bflag:$0x0] =	sbarrier.arrive $0xFFFF  }
0x62: {  	p0 =	sne.s32 s1, $0x0;
	_ =	strace $0x9000004A  }
0x63: {  	s0 =	sadd.s32 @!p0 $0x100000, s0;
	[bflag:$0x2] =	sbarrier.arrive $0xFFFF  }
0x64: {  	[sflag:s0] =	ssyncadd.tile.s32 @!p0 $0x1;
	_ =	shalt  }
.Lfunc_end2:
_tile_overlayer_lowered:
.L_overlay_start_2:
0x65: {  	(tag) =	ssettag $0x2  }
0x66: {  	s0 =	rddreg [dreg:$0x0];
	s2 =	stileid.u32  }
0x67: {  	s1 =	rddreg [dreg:$0x1];
	p0 =	sne.s32 s2, $0x0  }
0x68: {  	s3 =	rddreg [dreg:$0x2];
	[bflag:$0x3] =	sbarrier.arrive $0xFFFF;
	s2 =	simm.s32 @!p0 $0x1C05  }
0x69: {  	[timem:s3], [sflag:s2] =	dma.local @!p0 [hbm:s0], s1  }
0x6a: {  	s0 =	simm.s32 @!p0 $0x5  }
0x6b: {  	_ =	swait.ge @!p0 [sflag:s0], s1  }
0x6c: {  	s1 =	ssub.s32 @!p0 $0x0, s1;
	[sflag:s0] =	ssyncset.done @!p0 $0x0  }
0x6d: {  	[sflag:s0] =	ssyncadd.s32 @!p0 s1  }
0x6e: {  	[bflag:$0x3] =	sbarrier.arrive $0xFFFF  }
0x6f: {  	_ =	shalt  }

</sc_bundles>
